<compile_context>
chip_gen: v7x
topology: tpu7x:2x2x1
jax: 0.10.2.dev20260603
libtpu: 0.0.44.dev20260713+nightly
codegen_flags: <defaults>
</compile_context>

<pallas_src>
import jax
import jax.numpy as jnp
from jax import lax
from jax.experimental import pallas as pl
from jax.experimental.pallas import tpu as pltpu
from jax.experimental.pallas import tpu_sc as plsc

BATCH = 16384
IN_COLS = 100
OUT_COLS = 380
NUM_NONCAT = 60

NUM_WORKERS = 32
ROWS_PER_WORKER = BATCH // NUM_WORKERS
CHUNK_ROWS = 64
CHUNKS = ROWS_PER_WORKER // CHUNK_ROWS

_O_CARD4 = 61
_O_K8 = 77
_O_CARD8 = 80
_O_TAIL = 84


def _row_body(in_v, ob, rg, r, consts):
    (lane, b4, b8, b16, cls4, cls8, cls16, pat3, mask3, one, zero) = consts

    ld = {}
    for o in (0, 16, 32, 48, _O_CARD4, _O_K8, _O_CARD8, _O_TAIL):
        ld[o] = in_v[rg, pl.ds(o, 16)]

    def perm(v, idx):
        dn = lax.GatherDimensionNumbers(
            offset_dims=(), collapsed_slice_dims=(0,), start_index_map=(0,)
        )
        return lax.gather(
            v,
            idx[:, None],
            dimension_numbers=dn,
            slice_sizes=(1,),
            mode=lax.GatherScatterMode.PROMISE_IN_BOUNDS,
        )

    def onehot(src_o, pat, cls):
        s = perm(ld[src_o], pat)
        return jnp.where(s == cls, one, zero)

    ob[r, pl.ds(0, 16)] = ld[0]
    ob[r, pl.ds(16, 16)] = ld[16]
    ob[r, pl.ds(32, 16)] = ld[32]
    s3 = perm(ld[48], pat3)
    oh3 = jnp.where(s3 == cls4, one, zero)
    ob[r, pl.ds(48, 16)] = jnp.where(mask3, s3, oh3)
    for k in range(4, 8):
        pat = (60 + (16 * k - 60) // 4 - _O_CARD4) + b4
        ob[r, pl.ds(16 * k, 16)] = onehot(_O_CARD4, pat, cls4)
    ob[r, pl.ds(128, 16)] = onehot(_O_K8, b4, cls4)
    for k in range(9, 13):
        pat = (80 + (16 * k - 144) // 8 - _O_CARD8) + b8
        ob[r, pl.ds(16 * k, 16)] = onehot(_O_CARD8, pat, cls8)
    ob[r, pl.ds(208, 16)] = onehot(_O_TAIL, 4 + b8, cls8)
    for k in range(14, 23):
        pat = (90 + (16 * k - 224) // 16 - _O_TAIL) + b16
        ob[r, pl.ds(16 * k, 16)] = onehot(_O_TAIL, pat, cls16)
    pat23 = jnp.minimum((90 + (16 * 23 - 224) // 16 - _O_TAIL) + b16, 15)
    v23 = onehot(_O_TAIL, pat23, cls16)
    plsc.store_scatter(
        ob, [jnp.full((16,), r, jnp.int32), 368 + lane], v23, mask=lane < 12
    )


def _sc_kernel(
    x_hbm, out_hbm, in_v0, in_v1, out_v0, out_v1, semi0, semi1, semo0, semo1
):
    wid = lax.axis_index("s") * 2 + lax.axis_index("c")
    row0 = wid * ROWS_PER_WORKER

    pltpu.async_copy(x_hbm.at[pl.ds(row0, CHUNK_ROWS)], in_v0, semi0)
    pltpu.async_copy(
        x_hbm.at[pl.ds(row0 + CHUNK_ROWS, CHUNK_ROWS)], in_v1, semi1
    )

    lane = lax.iota(jnp.int32, 16)
    consts = (
        lane,
        lane >> 2,
        (lane + 4) >> 3,
        (lane + 4) >> 4,
        (lane & 3).astype(jnp.float32),
        ((lane + 4) & 7).astype(jnp.float32),
        ((lane + 4) & 15).astype(jnp.float32),
        jnp.minimum(lane, 12),
        lane < 12,
        jnp.full((16,), 1.0, jnp.float32),
        jnp.zeros((16,), jnp.float32),
    )

    bufs = ((in_v0, out_v0, semi0, semo0), (in_v1, out_v1, semi1, semo1))

    @pl.loop(0, CHUNKS, step=2)
    def _pair(c):
        for phase, (ib, ob, semi, semo) in enumerate(bufs):
            chunk = c + phase

            pltpu.make_async_copy(
                x_hbm.at[pl.ds(row0, CHUNK_ROWS)], ib, semi
            ).wait()

            @pl.when(chunk >= 2)
            def _wait_prev():
                pltpu.make_async_copy(
                    ob, out_hbm.at[pl.ds(row0, CHUNK_ROWS)], semo
                ).wait()

            @pl.loop(0, CHUNK_ROWS)
            def _row(r):
                _row_body(ib, ob, r, r, consts)

            pltpu.async_copy(
                ob,
                out_hbm.at[pl.ds(row0 + chunk * CHUNK_ROWS, CHUNK_ROWS)],
                semo,
            )

            @pl.when(chunk + 2 < CHUNKS)
            def _next_in():
                pltpu.async_copy(
                    x_hbm.at[pl.ds(row0 + (chunk + 2) * CHUNK_ROWS, CHUNK_ROWS)],
                    ib,
                    semi,
                )

    pltpu.make_async_copy(out_v0, out_hbm.at[pl.ds(row0, CHUNK_ROWS)], semo0).wait()
    pltpu.make_async_copy(out_v1, out_hbm.at[pl.ds(row0, CHUNK_ROWS)], semo1).wait()


@jax.jit
def kernel(x):
    mesh = plsc.VectorSubcoreMesh(core_axis_name="c", subcore_axis_name="s")
    f = pl.kernel(
        _sc_kernel,
        out_type=jax.ShapeDtypeStruct((BATCH, OUT_COLS), jnp.float32),
        mesh=mesh,
        scratch_types=[
            pltpu.VMEM((CHUNK_ROWS, IN_COLS), jnp.float32),
            pltpu.VMEM((CHUNK_ROWS, IN_COLS), jnp.float32),
            pltpu.VMEM((CHUNK_ROWS, OUT_COLS), jnp.float32),
            pltpu.VMEM((CHUNK_ROWS, OUT_COLS), jnp.float32),
            pltpu.SemaphoreType.DMA,
            pltpu.SemaphoreType.DMA,
            pltpu.SemaphoreType.DMA,
            pltpu.SemaphoreType.DMA,
        ],
        compiler_params=pltpu.CompilerParams(
            needs_layout_passes=False,
            use_tc_tiling_on_sc=True,
        ),
    )
    return f(x)

# --- scband reference (transcript-rebuilt; emitter-appended) ---
"""Pipeline reference for scband-one-hot-encoding-79070347920090 (READ-ONLY COPY).

The authoritative reference and input builder live on the scoring server;
editing this copy changes nothing except your own understanding.
"""

import jax, jax.numpy as jnp
import numpy as np

# Configuration mirroring a PresetHelper for a synthesizer with 100 parameters:
#   - 60 non-categorical (continuous) parameters at indices 0..59
#   - categorical parameters grouped by cardinality:
#       card 4  -> 20 params at indices 60..79
#       card 8  -> 10 params at indices 80..89
#       card 16 -> 10 params at indices 90..99
NUM_NONCAT = 60
NONCAT_IDX = np.arange(0, 60, dtype=np.int64)
CAT_GROUPS = [
    (4, np.arange(60, 80, dtype=np.int64)),
    (8, np.arange(80, 90, dtype=np.int64)),
    (16, np.arange(90, 100, dtype=np.int64)),
]
OUT_LENGTH = NUM_NONCAT + sum(card * len(idx) for card, idx in CAT_GROUPS)  # 380
BATCH = 16384


def setup_inputs(seed: int = 0) -> dict:
    key = jax.random.key(seed)
    k_noncat, k_cat = jax.random.split(key)
    # continuous params in [0, 1)
    noncat = jax.random.uniform(k_noncat, (BATCH, NUM_NONCAT), dtype=jnp.float32)
    # categorical params stored as integer-valued floats in [0, card)
    cat_cols = []
    k = k_cat
    for card, idx in CAT_GROUPS:
        k, sub = jax.random.split(k)
        cat_cols.append(jax.random.randint(sub, (BATCH, len(idx)), 0, card).astype(jnp.float32))
    x = jnp.concatenate([noncat] + cat_cols, axis=-1)
    return {"x": x}


def reference(x):
    # emb[..., :num_noncat] = x[..., noncat_parameters]
    parts = [jnp.take(x, jnp.asarray(NONCAT_IDX), axis=-1)]
    # for each cardinality group: one-hot encode and flatten
    for card, idx in CAT_GROUPS:
        cols = jnp.take(x, jnp.asarray(idx), axis=-1)
        ints = jax.lax.stop_gradient(cols).astype(jnp.int32)
        oh = jax.nn.one_hot(ints, card, dtype=x.dtype).reshape(x.shape[0], -1)
        parts.append(oh)
    emb = jnp.concatenate(parts, axis=-1)
    assert emb.shape[-1] == OUT_LENGTH
    return emb

if __name__ == "__main__":
    import jax
    _d = setup_inputs()
    print(jax.jit(kernel)(*tuple(_d.values())))

</pallas_src>

<mosaic_0001>
#map = affine_map<(d0, d1) -> (0, 0)>
module attributes {stable_mosaic.version = 14 : i64} {
  func.func @_sc_kernel(%arg0: i32, %arg1: i32, %arg2: memref<16384x100xf32, #tpu.memory_space<hbm>>, %arg3: memref<16384x380xf32, #tpu.memory_space<hbm>>, %arg4: memref<64x100xf32, #tpu.memory_space<vmem>>, %arg5: memref<64x100xf32, #tpu.memory_space<vmem>>, %arg6: memref<64x380xf32, #tpu.memory_space<vmem>>, %arg7: memref<64x380xf32, #tpu.memory_space<vmem>>, %arg8: memref<!tpu.dma_semaphore, #tpu.memory_space<semaphore_mem>>, %arg9: memref<!tpu.dma_semaphore, #tpu.memory_space<semaphore_mem>>, %arg10: memref<!tpu.dma_semaphore, #tpu.memory_space<semaphore_mem>>, %arg11: memref<!tpu.dma_semaphore, #tpu.memory_space<semaphore_mem>>) attributes {dimension_semantics = [#tpu.dimension_semantics<core_parallel>, #tpu.dimension_semantics<subcore_parallel>], iteration_bounds = array<i64: 2, 16>, scalar_prefetch = 0 : i64, scratch_operands = 8 : i64, tpu.core_type = #tpu.core_type<sc_vector_subcore>, window_params = [{transform_indices = #map}, {transform_indices = #map}]} {
    %mul3A = arith.constant 2 : i32
    %mul3A_0 = arith.muli %arg1, %mul3A : i32
    %add3A = arith.addi %mul3A_0, %arg0 : i32
    %mul3A_1 = arith.constant 512 : i32
    %mul3A_2 = arith.muli %add3A, %mul3A_1 : i32
    %dma_start3A = arith.constant 0 : i32
    %dma_start3A_3 = tpu.memref_slice %arg2[%mul3A_2, %dma_start3A] : memref<16384x100xf32, #tpu.memory_space<hbm>> -> memref<64x100xf32, #tpu.memory_space<hbm>>
    %dma_start3A_4 = arith.constant 0 : i32
    %dma_start3A_5 = tpu.memref_slice %arg2[%mul3A_2, %dma_start3A_4] : memref<16384x100xf32, #tpu.memory_space<hbm>> -> memref<64x100xf32, #tpu.memory_space<hbm>>
    tpu.enqueue_dma source(%dma_start3A_5 : memref<64x100xf32, #tpu.memory_space<hbm>>) target(%arg4 : memref<64x100xf32, #tpu.memory_space<vmem>>) target_semaphore(%arg8 : memref<!tpu.dma_semaphore, #tpu.memory_space<semaphore_mem>>)
    %add3A_6 = arith.constant 64 : i32
    %add3A_7 = arith.addi %mul3A_2, %add3A_6 : i32
    %dma_start3A_8 = arith.constant 0 : i32
    %dma_start3A_9 = tpu.memref_slice %arg2[%add3A_7, %dma_start3A_8] : memref<16384x100xf32, #tpu.memory_space<hbm>> -> memref<64x100xf32, #tpu.memory_space<hbm>>
    %dma_start3A_10 = arith.constant 0 : i32
    %dma_start3A_11 = tpu.memref_slice %arg2[%add3A_7, %dma_start3A_10] : memref<16384x100xf32, #tpu.memory_space<hbm>> -> memref<64x100xf32, #tpu.memory_space<hbm>>
    tpu.enqueue_dma source(%dma_start3A_11 : memref<64x100xf32, #tpu.memory_space<hbm>>) target(%arg5 : memref<64x100xf32, #tpu.memory_space<vmem>>) target_semaphore(%arg9 : memref<!tpu.dma_semaphore, #tpu.memory_space<semaphore_mem>>)
    %iota3A = tpu.iota {dimensions = array<i32: 0>} : vector<16xi32>
    %shift_right_arithmetic3A = arith.constant 2 : i32
    %shift_right_arithmetic3A_12 = vector.broadcast %shift_right_arithmetic3A : i32 to vector<16xi32>
    %shift_right_arithmetic3A_13 = arith.shrsi %iota3A, %shift_right_arithmetic3A_12 : vector<16xi32>
    %add3A_14 = arith.constant 4 : i32
    %add3A_15 = vector.broadcast %add3A_14 : i32 to vector<16xi32>
    %add3A_16 = arith.addi %iota3A, %add3A_15 : vector<16xi32>
    %shift_right_arithmetic3A_17 = arith.constant 3 : i32
    %shift_right_arithmetic3A_18 = vector.broadcast %shift_right_arithmetic3A_17 : i32 to vector<16xi32>
    %shift_right_arithmetic3A_19 = arith.shrsi %add3A_16, %shift_right_arithmetic3A_18 : vector<16xi32>
    %add3A_20 = arith.constant 4 : i32
    %add3A_21 = vector.broadcast %add3A_20 : i32 to vector<16xi32>
    %add3A_22 = arith.addi %iota3A, %add3A_21 : vector<16xi32>
    %shift_right_arithmetic3A_23 = arith.constant 4 : i32
    %shift_right_arithmetic3A_24 = vector.broadcast %shift_right_arithmetic3A_23 : i32 to vector<16xi32>
    %shift_right_arithmetic3A_25 = arith.shrsi %add3A_22, %shift_right_arithmetic3A_24 : vector<16xi32>
    %and3A = arith.constant 3 : i32
    %and3A_26 = vector.broadcast %and3A : i32 to vector<16xi32>
    %and3A_27 = arith.andi %iota3A, %and3A_26 : vector<16xi32>
    %convert_element_type3A = arith.sitofp %and3A_27 : vector<16xi32> to vector<16xf32>
    %add3A_28 = arith.constant 4 : i32
    %add3A_29 = vector.broadcast %add3A_28 : i32 to vector<16xi32>
    %add3A_30 = arith.addi %iota3A, %add3A_29 : vector<16xi32>
    %and3A_31 = arith.constant 7 : i32
    %and3A_32 = vector.broadcast %and3A_31 : i32 to vector<16xi32>
    %and3A_33 = arith.andi %add3A_30, %and3A_32 : vector<16xi32>
    %convert_element_type3A_34 = arith.sitofp %and3A_33 : vector<16xi32> to vector<16xf32>
    %add3A_35 = arith.constant 4 : i32
    %add3A_36 = vector.broadcast %add3A_35 : i32 to vector<16xi32>
    %add3A_37 = arith.addi %iota3A, %add3A_36 : vector<16xi32>
    %and3A_38 = arith.constant 15 : i32
    %and3A_39 = vector.broadcast %and3A_38 : i32 to vector<16xi32>
    %and3A_40 = arith.andi %add3A_37, %and3A_39 : vector<16xi32>
    %convert_element_type3A_41 = arith.sitofp %and3A_40 : vector<16xi32> to vector<16xf32>
    %min3A = arith.constant 12 : i32
    %min3A_42 = vector.broadcast %min3A : i32 to vector<16xi32>
    %min3A_43 = arith.minsi %iota3A, %min3A_42 : vector<16xi32>
    %lt3A = arith.constant 12 : i32
    %lt3A_44 = vector.broadcast %lt3A : i32 to vector<16xi32>
    %lt3A_45 = arith.cmpi slt, %iota3A, %lt3A_44 : vector<16xi32>
    %broadcast_in_dim3A = arith.constant 1.000000e+00 : f32
    %broadcast_in_dim3A_46 = vector.broadcast %broadcast_in_dim3A : f32 to vector<16xf32>
    %broadcast_in_dim3A_47 = arith.constant 0.000000e+00 : f32
    %broadcast_in_dim3A_48 = vector.broadcast %broadcast_in_dim3A_47 : f32 to vector<16xf32>
    %scan3A = arith.constant 0 : i32
    %scan3A_49 = arith.constant 4 : i32
    %scan3A_50 = arith.addi %scan3A, %scan3A_49 : i32
    %scan3A_51 = arith.constant 1 : i32
    scf.for %scan3A_60 = %scan3A to %scan3A_50 step %scan3A_51  : i32 {
      %mul3A_61 = arith.constant 2 : i32
      %mul3A_62 = arith.muli %scan3A_60, %mul3A_61 : i32
      %add3A_63 = arith.constant 0 : i32
      %add3A_64 = arith.addi %add3A_63, %mul3A_62 : i32
      %add3A_65 = arith.constant 0 : i32
      %add3A_66 = arith.addi %add3A_64, %add3A_65 : i32
      %dma_wait3A_67 = arith.constant 0 : i32
      %dma_wait3A_68 = tpu.memref_slice %arg2[%mul3A_2, %dma_wait3A_67] : memref<16384x100xf32, #tpu.memory_space<hbm>> -> memref<64x100xf32, #tpu.memory_space<hbm>>
      %dma_wait3A_69 = arith.constant 0 : i32
      %dma_wait3A_70 = tpu.memref_slice %arg2[%mul3A_2, %dma_wait3A_69] : memref<16384x100xf32, #tpu.memory_space<hbm>> -> memref<64x100xf32, #tpu.memory_space<hbm>>
      tpu.wait_dma2 semaphore(%arg8 : memref<!tpu.dma_semaphore, #tpu.memory_space<semaphore_mem>>) src(%dma_wait3A_70 : memref<64x100xf32, #tpu.memory_space<hbm>>) dst(%arg4 : memref<64x100xf32, #tpu.memory_space<vmem>>)
      %ge3A = arith.constant 2 : i32
      %ge3A_71 = arith.cmpi sge, %add3A_66, %ge3A : i32
      %convert_element_type3A_72 = arith.extui %ge3A_71 : i1 to i32
      %cond3A = arith.constant 0 : i32
      %cond3A_73 = arith.cmpi ne, %convert_element_type3A_72, %cond3A : i32
      scf.if %cond3A_73 {
        %dma_wait3A_123 = arith.constant 0 : i32
        %dma_wait3A_124 = tpu.memref_slice %arg3[%mul3A_2, %dma_wait3A_123] : memref<16384x380xf32, #tpu.memory_space<hbm>> -> memref<64x380xf32, #tpu.memory_space<hbm>>
        %dma_wait3A_125 = arith.constant 0 : i32
        %dma_wait3A_126 = tpu.memref_slice %arg3[%mul3A_2, %dma_wait3A_125] : memref<16384x380xf32, #tpu.memory_space<hbm>> -> memref<64x380xf32, #tpu.memory_space<hbm>>
        tpu.wait_dma2 semaphore(%arg10 : memref<!tpu.dma_semaphore, #tpu.memory_space<semaphore_mem>>) src(%arg6 : memref<64x380xf32, #tpu.memory_space<vmem>>) dst(%dma_wait3A_126 : memref<64x380xf32, #tpu.memory_space<hbm>>)
      } else {
      }
      %scan3A_74 = arith.constant 0 : i32
      %scan3A_75 = arith.constant 64 : i32
      %scan3A_76 = arith.addi %scan3A_74, %scan3A_75 : i32
      %scan3A_77 = arith.constant 1 : i32
      scf.for %scan3A_123 = %scan3A_74 to %scan3A_76 step %scan3A_77  : i32 {
        %mul3A_124 = arith.constant 1 : i32
        %mul3A_125 = arith.muli %scan3A_123, %mul3A_124 : i32
        %add3A_126 = arith.constant 0 : i32
        %add3A_127 = arith.addi %add3A_126, %mul3A_125 : i32
        %get3A = arith.index_cast %add3A_127 : i32 to index
        %get3A_128 = arith.constant 0 : index
        %get3A_129 = tpu.vector_load %arg4[%get3A, %get3A_128] {strides = array<i32>} : memref<64x100xf32, #tpu.memory_space<vmem>>, vector<16xf32>,
        %get3A_130 = arith.index_cast %add3A_127 : i32 to index
        %get3A_131 = arith.constant 16 : index
        %get3A_132 = tpu.vector_load %arg4[%get3A_130, %get3A_131] {strides = array<i32>} : memref<64x100xf32, #tpu.memory_space<vmem>>, vector<16xf32>,
        %get3A_133 = arith.index_cast %add3A_127 : i32 to index
        %get3A_134 = arith.constant 32 : index
        %get3A_135 = tpu.vector_load %arg4[%get3A_133, %get3A_134] {strides = array<i32>} : memref<64x100xf32, #tpu.memory_space<vmem>>, vector<16xf32>,
        %get3A_136 = arith.index_cast %add3A_127 : i32 to index
        %get3A_137 = arith.constant 48 : index
        %get3A_138 = tpu.vector_load %arg4[%get3A_136, %get3A_137] {strides = array<i32>} : memref<64x100xf32, #tpu.memory_space<vmem>>, vector<16xf32>,
        %get3A_139 = arith.index_cast %add3A_127 : i32 to index
        %get3A_140 = arith.constant 61 : index
        %get3A_141 = tpu.vector_load %arg4[%get3A_139, %get3A_140] {strides = array<i32>} : memref<64x100xf32, #tpu.memory_space<vmem>>, vector<16xf32>,
        %get3A_142 = arith.index_cast %add3A_127 : i32 to index
        %get3A_143 = arith.constant 77 : index
        %get3A_144 = tpu.vector_load %arg4[%get3A_142, %get3A_143] {strides = array<i32>} : memref<64x100xf32, #tpu.memory_space<vmem>>, vector<16xf32>,
        %get3A_145 = arith.index_cast %add3A_127 : i32 to index
        %get3A_146 = arith.constant 80 : index
        %get3A_147 = tpu.vector_load %arg4[%get3A_145, %get3A_146] {strides = array<i32>} : memref<64x100xf32, #tpu.memory_space<vmem>>, vector<16xf32>,
        %get3A_148 = arith.index_cast %add3A_127 : i32 to index
        %get3A_149 = arith.constant 84 : index
        %get3A_150 = tpu.vector_load %arg4[%get3A_148, %get3A_149] {strides = array<i32>} : memref<64x100xf32, #tpu.memory_space<vmem>>, vector<16xf32>,
        %swap3A = arith.index_cast %add3A_127 : i32 to index
        %swap3A_151 = arith.constant 0 : index
        %swap3A_152 = tpu.vector_load %arg6[%swap3A, %swap3A_151] {strides = array<i32>} : memref<64x380xf32, #tpu.memory_space<vmem>>, vector<16xf32>,
        tpu.vector_store %arg6[%swap3A, %swap3A_151], %get3A_129 {strides = array<i32>} : memref<64x380xf32, #tpu.memory_space<vmem>>, vector<16xf32>,
        %swap3A_153 = arith.index_cast %add3A_127 : i32 to index
        %swap3A_154 = arith.constant 16 : index
        %swap3A_155 = tpu.vector_load %arg6[%swap3A_153, %swap3A_154] {strides = array<i32>} : memref<64x380xf32, #tpu.memory_space<vmem>>, vector<16xf32>,
        tpu.vector_store %arg6[%swap3A_153, %swap3A_154], %get3A_132 {strides = array<i32>} : memref<64x380xf32, #tpu.memory_space<vmem>>, vector<16xf32>,
        %swap3A_156 = arith.index_cast %add3A_127 : i32 to index
        %swap3A_157 = arith.constant 32 : index
        %swap3A_158 = tpu.vector_load %arg6[%swap3A_156, %swap3A_157] {strides = array<i32>} : memref<64x380xf32, #tpu.memory_space<vmem>>, vector<16xf32>,
        tpu.vector_store %arg6[%swap3A_156, %swap3A_157], %get3A_135 {strides = array<i32>} : memref<64x380xf32, #tpu.memory_space<vmem>>, vector<16xf32>,
        %broadcast_in_dim3A_159 = vector.shape_cast %min3A_43 : vector<16xi32> to vector<16x1xi32>
        %gather3A = vector.shape_cast %broadcast_in_dim3A_159 : vector<16x1xi32> to vector<16xi32>
        %gather3A_160 = tpu.dynamic_gather %get3A_138[%gather3A] in [0] : vector<16xf32>, vector<16xi32> -> vector<16xf32>
        %eq3A = arith.cmpf oeq, %gather3A_160, %convert_element_type3A : vector<16xf32>
        %select_n3A = arith.select %eq3A, %broadcast_in_dim3A_46, %broadcast_in_dim3A_48 : vector<16xi1>, vector<16xf32>
        %select_n3A_161 = arith.select %lt3A_45, %gather3A_160, %select_n3A : vector<16xi1>, vector<16xf32>
        %swap3A_162 = arith.index_cast %add3A_127 : i32 to index
        %swap3A_163 = arith.constant 48 : index
        %swap3A_164 = tpu.vector_load %arg6[%swap3A_162, %swap3A_163] {strides = array<i32>} : memref<64x380xf32, #tpu.memory_space<vmem>>, vector<16xf32>,
        tpu.vector_store %arg6[%swap3A_162, %swap3A_163], %select_n3A_161 {strides = array<i32>} : memref<64x380xf32, #tpu.memory_space<vmem>>, vector<16xf32>,
        %add3A_165 = arith.constant 0 : i32
        %add3A_166 = vector.broadcast %add3A_165 : i32 to vector<16xi32>
        %add3A_167 = arith.addi %add3A_166, %shift_right_arithmetic3A_13 : vector<16xi32>
        %broadcast_in_dim3A_168 = vector.shape_cast %add3A_167 : vector<16xi32> to vector<16x1xi32>
        %gather3A_169 = vector.shape_cast %broadcast_in_dim3A_168 : vector<16x1xi32> to vector<16xi32>
        %gather3A_170 = tpu.dynamic_gather %get3A_141[%gather3A_169] in [0] : vector<16xf32>, vector<16xi32> -> vector<16xf32>
        %eq3A_171 = arith.cmpf oeq, %gather3A_170, %convert_element_type3A : vector<16xf32>
        %select_n3A_172 = arith.select %eq3A_171, %broadcast_in_dim3A_46, %broadcast_in_dim3A_48 : vector<16xi1>, vector<16xf32>
        %swap3A_173 = arith.index_cast %add3A_127 : i32 to index
        %swap3A_174 = arith.constant 64 : index
        %swap3A_175 = tpu.vector_load %arg6[%swap3A_173, %swap3A_174] {strides = array<i32>} : memref<64x380xf32, #tpu.memory_space<vmem>>, vector<16xf32>,
        tpu.vector_store %arg6[%swap3A_173, %swap3A_174], %select_n3A_172 {strides = array<i32>} : memref<64x380xf32, #tpu.memory_space<vmem>>, vector<16xf32>,
        %add3A_176 = arith.constant 4 : i32
        %add3A_177 = vector.broadcast %add3A_176 : i32 to vector<16xi32>
        %add3A_178 = arith.addi %add3A_177, %shift_right_arithmetic3A_13 : vector<16xi32>
        %broadcast_in_dim3A_179 = vector.shape_cast %add3A_178 : vector<16xi32> to vector<16x1xi32>
        %gather3A_180 = vector.shape_cast %broadcast_in_dim3A_179 : vector<16x1xi32> to vector<16xi32>
        %gather3A_181 = tpu.dynamic_gather %get3A_141[%gather3A_180] in [0] : vector<16xf32>, vector<16xi32> -> vector<16xf32>
        %eq3A_182 = arith.cmpf oeq, %gather3A_181, %convert_element_type3A : vector<16xf32>
        %select_n3A_183 = arith.select %eq3A_182, %broadcast_in_dim3A_46, %broadcast_in_dim3A_48 : vector<16xi1>, vector<16xf32>
        %swap3A_184 = arith.index_cast %add3A_127 : i32 to index
        %swap3A_185 = arith.constant 80 : index
        %swap3A_186 = tpu.vector_load %arg6[%swap3A_184, %swap3A_185] {strides = array<i32>} : memref<64x380xf32, #tpu.memory_space<vmem>>, vector<16xf32>,
        tpu.vector_store %arg6[%swap3A_184, %swap3A_185], %select_n3A_183 {strides = array<i32>} : memref<64x380xf32, #tpu.memory_space<vmem>>, vector<16xf32>,
        %add3A_187 = arith.constant 8 : i32
        %add3A_188 = vector.broadcast %add3A_187 : i32 to vector<16xi32>
        %add3A_189 = arith.addi %add3A_188, %shift_right_arithmetic3A_13 : vector<16xi32>
        %broadcast_in_dim3A_190 = vector.shape_cast %add3A_189 : vector<16xi32> to vector<16x1xi32>
        %gather3A_191 = vector.shape_cast %broadcast_in_dim3A_190 : vector<16x1xi32> to vector<16xi32>
        %gather3A_192 = tpu.dynamic_gather %get3A_141[%gather3A_191] in [0] : vector<16xf32>, vector<16xi32> -> vector<16xf32>
        %eq3A_193 = arith.cmpf oeq, %gather3A_192, %convert_element_type3A : vector<16xf32>
        %select_n3A_194 = arith.select %eq3A_193, %broadcast_in_dim3A_46, %broadcast_in_dim3A_48 : vector<16xi1>, vector<16xf32>
        %swap3A_195 = arith.index_cast %add3A_127 : i32 to index
        %swap3A_196 = arith.constant 96 : index
        %swap3A_197 = tpu.vector_load %arg6[%swap3A_195, %swap3A_196] {strides = array<i32>} : memref<64x380xf32, #tpu.memory_space<vmem>>, vector<16xf32>,
        tpu.vector_store %arg6[%swap3A_195, %swap3A_196], %select_n3A_194 {strides = array<i32>} : memref<64x380xf32, #tpu.memory_space<vmem>>, vector<16xf32>,
        %add3A_198 = arith.constant 12 : i32
        %add3A_199 = vector.broadcast %add3A_198 : i32 to vector<16xi32>
        %add3A_200 = arith.addi %add3A_199, %shift_right_arithmetic3A_13 : vector<16xi32>
        %broadcast_in_dim3A_201 = vector.shape_cast %add3A_200 : vector<16xi32> to vector<16x1xi32>
        %gather3A_202 = vector.shape_cast %broadcast_in_dim3A_201 : vector<16x1xi32> to vector<16xi32>
        %gather3A_203 = tpu.dynamic_gather %get3A_141[%gather3A_202] in [0] : vector<16xf32>, vector<16xi32> -> vector<16xf32>
        %eq3A_204 = arith.cmpf oeq, %gather3A_203, %convert_element_type3A : vector<16xf32>
        %select_n3A_205 = arith.select %eq3A_204, %broadcast_in_dim3A_46, %broadcast_in_dim3A_48 : vector<16xi1>, vector<16xf32>
        %swap3A_206 = arith.index_cast %add3A_127 : i32 to index
        %swap3A_207 = arith.constant 112 : index
        %swap3A_208 = tpu.vector_load %arg6[%swap3A_206, %swap3A_207] {strides = array<i32>} : memref<64x380xf32, #tpu.memory_space<vmem>>, vector<16xf32>,
        tpu.vector_store %arg6[%swap3A_206, %swap3A_207], %select_n3A_205 {strides = array<i32>} : memref<64x380xf32, #tpu.memory_space<vmem>>, vector<16xf32>,
        %broadcast_in_dim3A_209 = vector.shape_cast %shift_right_arithmetic3A_13 : vector<16xi32> to vector<16x1xi32>
        %gather3A_210 = vector.shape_cast %broadcast_in_dim3A_209 : vector<16x1xi32> to vector<16xi32>
        %gather3A_211 = tpu.dynamic_gather %get3A_144[%gather3A_210] in [0] : vector<16xf32>, vector<16xi32> -> vector<16xf32>
        %eq3A_212 = arith.cmpf oeq, %gather3A_211, %convert_element_type3A : vector<16xf32>
        %select_n3A_213 = arith.select %eq3A_212, %broadcast_in_dim3A_46, %broadcast_in_dim3A_48 : vector<16xi1>, vector<16xf32>
        %swap3A_214 = arith.index_cast %add3A_127 : i32 to index
        %swap3A_215 = arith.constant 128 : index
        %swap3A_216 = tpu.vector_load %arg6[%swap3A_214, %swap3A_215] {strides = array<i32>} : memref<64x380xf32, #tpu.memory_space<vmem>>, vector<16xf32>,
        tpu.vector_store %arg6[%swap3A_214, %swap3A_215], %select_n3A_213 {strides = array<i32>} : memref<64x380xf32, #tpu.memory_space<vmem>>, vector<16xf32>,
        %add3A_217 = arith.constant 0 : i32
        %add3A_218 = vector.broadcast %add3A_217 : i32 to vector<16xi32>
        %add3A_219 = arith.addi %add3A_218, %shift_right_arithmetic3A_19 : vector<16xi32>
        %broadcast_in_dim3A_220 = vector.shape_cast %add3A_219 : vector<16xi32> to vector<16x1xi32>
        %gather3A_221 = vector.shape_cast %broadcast_in_dim3A_220 : vector<16x1xi32> to vector<16xi32>
        %gather3A_222 = tpu.dynamic_gather %get3A_147[%gather3A_221] in [0] : vector<16xf32>, vector<16xi32> -> vector<16xf32>
        %eq3A_223 = arith.cmpf oeq, %gather3A_222, %convert_element_type3A_34 : vector<16xf32>
        %select_n3A_224 = arith.select %eq3A_223, %broadcast_in_dim3A_46, %broadcast_in_dim3A_48 : vector<16xi1>, vector<16xf32>
        %swap3A_225 = arith.index_cast %add3A_127 : i32 to index
        %swap3A_226 = arith.constant 144 : index
        %swap3A_227 = tpu.vector_load %arg6[%swap3A_225, %swap3A_226] {strides = array<i32>} : memref<64x380xf32, #tpu.memory_space<vmem>>, vector<16xf32>,
        tpu.vector_store %arg6[%swap3A_225, %swap3A_226], %select_n3A_224 {strides = array<i32>} : memref<64x380xf32, #tpu.memory_space<vmem>>, vector<16xf32>,
        %add3A_228 = arith.constant 2 : i32
        %add3A_229 = vector.broadcast %add3A_228 : i32 to vector<16xi32>
        %add3A_230 = arith.addi %add3A_229, %shift_right_arithmetic3A_19 : vector<16xi32>
        %broadcast_in_dim3A_231 = vector.shape_cast %add3A_230 : vector<16xi32> to vector<16x1xi32>
        %gather3A_232 = vector.shape_cast %broadcast_in_dim3A_231 : vector<16x1xi32> to vector<16xi32>
        %gather3A_233 = tpu.dynamic_gather %get3A_147[%gather3A_232] in [0] : vector<16xf32>, vector<16xi32> -> vector<16xf32>
        %eq3A_234 = arith.cmpf oeq, %gather3A_233, %convert_element_type3A_34 : vector<16xf32>
        %select_n3A_235 = arith.select %eq3A_234, %broadcast_in_dim3A_46, %broadcast_in_dim3A_48 : vector<16xi1>, vector<16xf32>
        %swap3A_236 = arith.index_cast %add3A_127 : i32 to index
        %swap3A_237 = arith.constant 160 : index
        %swap3A_238 = tpu.vector_load %arg6[%swap3A_236, %swap3A_237] {strides = array<i32>} : memref<64x380xf32, #tpu.memory_space<vmem>>, vector<16xf32>,
        tpu.vector_store %arg6[%swap3A_236, %swap3A_237], %select_n3A_235 {strides = array<i32>} : memref<64x380xf32, #tpu.memory_space<vmem>>, vector<16xf32>,
        %add3A_239 = arith.constant 4 : i32
        %add3A_240 = vector.broadcast %add3A_239 : i32 to vector<16xi32>
        %add3A_241 = arith.addi %add3A_240, %shift_right_arithmetic3A_19 : vector<16xi32>
        %broadcast_in_dim3A_242 = vector.shape_cast %add3A_241 : vector<16xi32> to vector<16x1xi32>
        %gather3A_243 = vector.shape_cast %broadcast_in_dim3A_242 : vector<16x1xi32> to vector<16xi32>
        %gather3A_244 = tpu.dynamic_gather %get3A_147[%gather3A_243] in [0] : vector<16xf32>, vector<16xi32> -> vector<16xf32>
        %eq3A_245 = arith.cmpf oeq, %gather3A_244, %convert_element_type3A_34 : vector<16xf32>
        %select_n3A_246 = arith.select %eq3A_245, %broadcast_in_dim3A_46, %broadcast_in_dim3A_48 : vector<16xi1>, vector<16xf32>
        %swap3A_247 = arith.index_cast %add3A_127 : i32 to index
        %swap3A_248 = arith.constant 176 : index
        %swap3A_249 = tpu.vector_load %arg6[%swap3A_247, %swap3A_248] {strides = array<i32>} : memref<64x380xf32, #tpu.memory_space<vmem>>, vector<16xf32>,
        tpu.vector_store %arg6[%swap3A_247, %swap3A_248], %select_n3A_246 {strides = array<i32>} : memref<64x380xf32, #tpu.memory_space<vmem>>, vector<16xf32>,
        %add3A_250 = arith.constant 6 : i32
        %add3A_251 = vector.broadcast %add3A_250 : i32 to vector<16xi32>
        %add3A_252 = arith.addi %add3A_251, %shift_right_arithmetic3A_19 : vector<16xi32>
        %broadcast_in_dim3A_253 = vector.shape_cast %add3A_252 : vector<16xi32> to vector<16x1xi32>
        %gather3A_254 = vector.shape_cast %broadcast_in_dim3A_253 : vector<16x1xi32> to vector<16xi32>
        %gather3A_255 = tpu.dynamic_gather %get3A_147[%gather3A_254] in [0] : vector<16xf32>, vector<16xi32> -> vector<16xf32>
        %eq3A_256 = arith.cmpf oeq, %gather3A_255, %convert_element_type3A_34 : vector<16xf32>
        %select_n3A_257 = arith.select %eq3A_256, %broadcast_in_dim3A_46, %broadcast_in_dim3A_48 : vector<16xi1>, vector<16xf32>
        %swap3A_258 = arith.index_cast %add3A_127 : i32 to index
        %swap3A_259 = arith.constant 192 : index
        %swap3A_260 = tpu.vector_load %arg6[%swap3A_258, %swap3A_259] {strides = array<i32>} : memref<64x380xf32, #tpu.memory_space<vmem>>, vector<16xf32>,
        tpu.vector_store %arg6[%swap3A_258, %swap3A_259], %select_n3A_257 {strides = array<i32>} : memref<64x380xf32, #tpu.memory_space<vmem>>, vector<16xf32>,
        %add3A_261 = arith.constant 4 : i32
        %add3A_262 = vector.broadcast %add3A_261 : i32 to vector<16xi32>
        %add3A_263 = arith.addi %add3A_262, %shift_right_arithmetic3A_19 : vector<16xi32>
        %broadcast_in_dim3A_264 = vector.shape_cast %add3A_263 : vector<16xi32> to vector<16x1xi32>
        %gather3A_265 = vector.shape_cast %broadcast_in_dim3A_264 : vector<16x1xi32> to vector<16xi32>
        %gather3A_266 = tpu.dynamic_gather %get3A_150[%gather3A_265] in [0] : vector<16xf32>, vector<16xi32> -> vector<16xf32>
        %eq3A_267 = arith.cmpf oeq, %gather3A_266, %convert_element_type3A_34 : vector<16xf32>
        %select_n3A_268 = arith.select %eq3A_267, %broadcast_in_dim3A_46, %broadcast_in_dim3A_48 : vector<16xi1>, vector<16xf32>
        %swap3A_269 = arith.index_cast %add3A_127 : i32 to index
        %swap3A_270 = arith.constant 208 : index
        %swap3A_271 = tpu.vector_load %arg6[%swap3A_269, %swap3A_270] {strides = array<i32>} : memref<64x380xf32, #tpu.memory_space<vmem>>, vector<16xf32>,
        tpu.vector_store %arg6[%swap3A_269, %swap3A_270], %select_n3A_268 {strides = array<i32>} : memref<64x380xf32, #tpu.memory_space<vmem>>, vector<16xf32>,
        %add3A_272 = arith.constant 6 : i32
        %add3A_273 = vector.broadcast %add3A_272 : i32 to vector<16xi32>
        %add3A_274 = arith.addi %add3A_273, %shift_right_arithmetic3A_25 : vector<16xi32>
        %broadcast_in_dim3A_275 = vector.shape_cast %add3A_274 : vector<16xi32> to vector<16x1xi32>
        %gather3A_276 = vector.shape_cast %broadcast_in_dim3A_275 : vector<16x1xi32> to vector<16xi32>
        %gather3A_277 = tpu.dynamic_gather %get3A_150[%gather3A_276] in [0] : vector<16xf32>, vector<16xi32> -> vector<16xf32>
        %eq3A_278 = arith.cmpf oeq, %gather3A_277, %convert_element_type3A_41 : vector<16xf32>
        %select_n3A_279 = arith.select %eq3A_278, %broadcast_in_dim3A_46, %broadcast_in_dim3A_48 : vector<16xi1>, vector<16xf32>
        %swap3A_280 = arith.index_cast %add3A_127 : i32 to index
        %swap3A_281 = arith.constant 224 : index
        %swap3A_282 = tpu.vector_load %arg6[%swap3A_280, %swap3A_281] {strides = array<i32>} : memref<64x380xf32, #tpu.memory_space<vmem>>, vector<16xf32>,
        tpu.vector_store %arg6[%swap3A_280, %swap3A_281], %select_n3A_279 {strides = array<i32>} : memref<64x380xf32, #tpu.memory_space<vmem>>, vector<16xf32>,
        %add3A_283 = arith.constant 7 : i32
        %add3A_284 = vector.broadcast %add3A_283 : i32 to vector<16xi32>
        %add3A_285 = arith.addi %add3A_284, %shift_right_arithmetic3A_25 : vector<16xi32>
        %broadcast_in_dim3A_286 = vector.shape_cast %add3A_285 : vector<16xi32> to vector<16x1xi32>
        %gather3A_287 = vector.shape_cast %broadcast_in_dim3A_286 : vector<16x1xi32> to vector<16xi32>
        %gather3A_288 = tpu.dynamic_gather %get3A_150[%gather3A_287] in [0] : vector<16xf32>, vector<16xi32> -> vector<16xf32>
        %eq3A_289 = arith.cmpf oeq, %gather3A_288, %convert_element_type3A_41 : vector<16xf32>
        %select_n3A_290 = arith.select %eq3A_289, %broadcast_in_dim3A_46, %broadcast_in_dim3A_48 : vector<16xi1>, vector<16xf32>
        %swap3A_291 = arith.index_cast %add3A_127 : i32 to index
        %swap3A_292 = arith.constant 240 : index
        %swap3A_293 = tpu.vector_load %arg6[%swap3A_291, %swap3A_292] {strides = array<i32>} : memref<64x380xf32, #tpu.memory_space<vmem>>, vector<16xf32>,
        tpu.vector_store %arg6[%swap3A_291, %swap3A_292], %select_n3A_290 {strides = array<i32>} : memref<64x380xf32, #tpu.memory_space<vmem>>, vector<16xf32>,
        %add3A_294 = arith.constant 8 : i32
        %add3A_295 = vector.broadcast %add3A_294 : i32 to vector<16xi32>
        %add3A_296 = arith.addi %add3A_295, %shift_right_arithmetic3A_25 : vector<16xi32>
        %broadcast_in_dim3A_297 = vector.shape_cast %add3A_296 : vector<16xi32> to vector<16x1xi32>
        %gather3A_298 = vector.shape_cast %broadcast_in_dim3A_297 : vector<16x1xi32> to vector<16xi32>
        %gather3A_299 = tpu.dynamic_gather %get3A_150[%gather3A_298] in [0] : vector<16xf32>, vector<16xi32> -> vector<16xf32>
        %eq3A_300 = arith.cmpf oeq, %gather3A_299, %convert_element_type3A_41 : vector<16xf32>
        %select_n3A_301 = arith.select %eq3A_300, %broadcast_in_dim3A_46, %broadcast_in_dim3A_48 : vector<16xi1>, vector<16xf32>
        %swap3A_302 = arith.index_cast %add3A_127 : i32 to index
        %swap3A_303 = arith.constant 256 : index
        %swap3A_304 = tpu.vector_load %arg6[%swap3A_302, %swap3A_303] {strides = array<i32>} : memref<64x380xf32, #tpu.memory_space<vmem>>, vector<16xf32>,
        tpu.vector_store %arg6[%swap3A_302, %swap3A_303], %select_n3A_301 {strides = array<i32>} : memref<64x380xf32, #tpu.memory_space<vmem>>, vector<16xf32>,
        %add3A_305 = arith.constant 9 : i32
        %add3A_306 = vector.broadcast %add3A_305 : i32 to vector<16xi32>
        %add3A_307 = arith.addi %add3A_306, %shift_right_arithmetic3A_25 : vector<16xi32>
        %broadcast_in_dim3A_308 = vector.shape_cast %add3A_307 : vector<16xi32> to vector<16x1xi32>
        %gather3A_309 = vector.shape_cast %broadcast_in_dim3A_308 : vector<16x1xi32> to vector<16xi32>
        %gather3A_310 = tpu.dynamic_gather %get3A_150[%gather3A_309] in [0] : vector<16xf32>, vector<16xi32> -> vector<16xf32>
        %eq3A_311 = arith.cmpf oeq, %gather3A_310, %convert_element_type3A_41 : vector<16xf32>
        %select_n3A_312 = arith.select %eq3A_311, %broadcast_in_dim3A_46, %broadcast_in_dim3A_48 : vector<16xi1>, vector<16xf32>
        %swap3A_313 = arith.index_cast %add3A_127 : i32 to index
        %swap3A_314 = arith.constant 272 : index
        %swap3A_315 = tpu.vector_load %arg6[%swap3A_313, %swap3A_314] {strides = array<i32>} : memref<64x380xf32, #tpu.memory_space<vmem>>, vector<16xf32>,
        tpu.vector_store %arg6[%swap3A_313, %swap3A_314], %select_n3A_312 {strides = array<i32>} : memref<64x380xf32, #tpu.memory_space<vmem>>, vector<16xf32>,
        %add3A_316 = arith.constant 10 : i32
        %add3A_317 = vector.broadcast %add3A_316 : i32 to vector<16xi32>
        %add3A_318 = arith.addi %add3A_317, %shift_right_arithmetic3A_25 : vector<16xi32>
        %broadcast_in_dim3A_319 = vector.shape_cast %add3A_318 : vector<16xi32> to vector<16x1xi32>
        %gather3A_320 = vector.shape_cast %broadcast_in_dim3A_319 : vector<16x1xi32> to vector<16xi32>
        %gather3A_321 = tpu.dynamic_gather %get3A_150[%gather3A_320] in [0] : vector<16xf32>, vector<16xi32> -> vector<16xf32>
        %eq3A_322 = arith.cmpf oeq, %gather3A_321, %convert_element_type3A_41 : vector<16xf32>
        %select_n3A_323 = arith.select %eq3A_322, %broadcast_in_dim3A_46, %broadcast_in_dim3A_48 : vector<16xi1>, vector<16xf32>
        %swap3A_324 = arith.index_cast %add3A_127 : i32 to index
        %swap3A_325 = arith.constant 288 : index
        %swap3A_326 = tpu.vector_load %arg6[%swap3A_324, %swap3A_325] {strides = array<i32>} : memref<64x380xf32, #tpu.memory_space<vmem>>, vector<16xf32>,
        tpu.vector_store %arg6[%swap3A_324, %swap3A_325], %select_n3A_323 {strides = array<i32>} : memref<64x380xf32, #tpu.memory_space<vmem>>, vector<16xf32>,
        %add3A_327 = arith.constant 11 : i32
        %add3A_328 = vector.broadcast %add3A_327 : i32 to vector<16xi32>
        %add3A_329 = arith.addi %add3A_328, %shift_right_arithmetic3A_25 : vector<16xi32>
        %broadcast_in_dim3A_330 = vector.shape_cast %add3A_329 : vector<16xi32> to vector<16x1xi32>
        %gather3A_331 = vector.shape_cast %broadcast_in_dim3A_330 : vector<16x1xi32> to vector<16xi32>
        %gather3A_332 = tpu.dynamic_gather %get3A_150[%gather3A_331] in [0] : vector<16xf32>, vector<16xi32> -> vector<16xf32>
        %eq3A_333 = arith.cmpf oeq, %gather3A_332, %convert_element_type3A_41 : vector<16xf32>
        %select_n3A_334 = arith.select %eq3A_333, %broadcast_in_dim3A_46, %broadcast_in_dim3A_48 : vector<16xi1>, vector<16xf32>
        %swap3A_335 = arith.index_cast %add3A_127 : i32 to index
        %swap3A_336 = arith.constant 304 : index
        %swap3A_337 = tpu.vector_load %arg6[%swap3A_335, %swap3A_336] {strides = array<i32>} : memref<64x380xf32, #tpu.memory_space<vmem>>, vector<16xf32>,
        tpu.vector_store %arg6[%swap3A_335, %swap3A_336], %select_n3A_334 {strides = array<i32>} : memref<64x380xf32, #tpu.memory_space<vmem>>, vector<16xf32>,
        %add3A_338 = arith.constant 12 : i32
        %add3A_339 = vector.broadcast %add3A_338 : i32 to vector<16xi32>
        %add3A_340 = arith.addi %add3A_339, %shift_right_arithmetic3A_25 : vector<16xi32>
        %broadcast_in_dim3A_341 = vector.shape_cast %add3A_340 : vector<16xi32> to vector<16x1xi32>
        %gather3A_342 = vector.shape_cast %broadcast_in_dim3A_341 : vector<16x1xi32> to vector<16xi32>
        %gather3A_343 = tpu.dynamic_gather %get3A_150[%gather3A_342] in [0] : vector<16xf32>, vector<16xi32> -> vector<16xf32>
        %eq3A_344 = arith.cmpf oeq, %gather3A_343, %convert_element_type3A_41 : vector<16xf32>
        %select_n3A_345 = arith.select %eq3A_344, %broadcast_in_dim3A_46, %broadcast_in_dim3A_48 : vector<16xi1>, vector<16xf32>
        %swap3A_346 = arith.index_cast %add3A_127 : i32 to index
        %swap3A_347 = arith.constant 320 : index
        %swap3A_348 = tpu.vector_load %arg6[%swap3A_346, %swap3A_347] {strides = array<i32>} : memref<64x380xf32, #tpu.memory_space<vmem>>, vector<16xf32>,
        tpu.vector_store %arg6[%swap3A_346, %swap3A_347], %select_n3A_345 {strides = array<i32>} : memref<64x380xf32, #tpu.memory_space<vmem>>, vector<16xf32>,
        %add3A_349 = arith.constant 13 : i32
        %add3A_350 = vector.broadcast %add3A_349 : i32 to vector<16xi32>
        %add3A_351 = arith.addi %add3A_350, %shift_right_arithmetic3A_25 : vector<16xi32>
        %broadcast_in_dim3A_352 = vector.shape_cast %add3A_351 : vector<16xi32> to vector<16x1xi32>
        %gather3A_353 = vector.shape_cast %broadcast_in_dim3A_352 : vector<16x1xi32> to vector<16xi32>
        %gather3A_354 = tpu.dynamic_gather %get3A_150[%gather3A_353] in [0] : vector<16xf32>, vector<16xi32> -> vector<16xf32>
        %eq3A_355 = arith.cmpf oeq, %gather3A_354, %convert_element_type3A_41 : vector<16xf32>
        %select_n3A_356 = arith.select %eq3A_355, %broadcast_in_dim3A_46, %broadcast_in_dim3A_48 : vector<16xi1>, vector<16xf32>
        %swap3A_357 = arith.index_cast %add3A_127 : i32 to index
        %swap3A_358 = arith.constant 336 : index
        %swap3A_359 = tpu.vector_load %arg6[%swap3A_357, %swap3A_358] {strides = array<i32>} : memref<64x380xf32, #tpu.memory_space<vmem>>, vector<16xf32>,
        tpu.vector_store %arg6[%swap3A_357, %swap3A_358], %select_n3A_356 {strides = array<i32>} : memref<64x380xf32, #tpu.memory_space<vmem>>, vector<16xf32>,
        %add3A_360 = arith.constant 14 : i32
        %add3A_361 = vector.broadcast %add3A_360 : i32 to vector<16xi32>
        %add3A_362 = arith.addi %add3A_361, %shift_right_arithmetic3A_25 : vector<16xi32>
        %broadcast_in_dim3A_363 = vector.shape_cast %add3A_362 : vector<16xi32> to vector<16x1xi32>
        %gather3A_364 = vector.shape_cast %broadcast_in_dim3A_363 : vector<16x1xi32> to vector<16xi32>
        %gather3A_365 = tpu.dynamic_gather %get3A_150[%gather3A_364] in [0] : vector<16xf32>, vector<16xi32> -> vector<16xf32>
        %eq3A_366 = arith.cmpf oeq, %gather3A_365, %convert_element_type3A_41 : vector<16xf32>
        %select_n3A_367 = arith.select %eq3A_366, %broadcast_in_dim3A_46, %broadcast_in_dim3A_48 : vector<16xi1>, vector<16xf32>
        %swap3A_368 = arith.index_cast %add3A_127 : i32 to index
        %swap3A_369 = arith.constant 352 : index
        %swap3A_370 = tpu.vector_load %arg6[%swap3A_368, %swap3A_369] {strides = array<i32>} : memref<64x380xf32, #tpu.memory_space<vmem>>, vector<16xf32>,
        tpu.vector_store %arg6[%swap3A_368, %swap3A_369], %select_n3A_367 {strides = array<i32>} : memref<64x380xf32, #tpu.memory_space<vmem>>, vector<16xf32>,
        %add3A_371 = arith.constant 15 : i32
        %add3A_372 = vector.broadcast %add3A_371 : i32 to vector<16xi32>
        %add3A_373 = arith.addi %add3A_372, %shift_right_arithmetic3A_25 : vector<16xi32>
        %min3A_374 = arith.constant 15 : i32
        %min3A_375 = vector.broadcast %min3A_374 : i32 to vector<16xi32>
        %min3A_376 = arith.minsi %add3A_373, %min3A_375 : vector<16xi32>
        %broadcast_in_dim3A_377 = vector.shape_cast %min3A_376 : vector<16xi32> to vector<16x1xi32>
        %gather3A_378 = vector.shape_cast %broadcast_in_dim3A_377 : vector<16x1xi32> to vector<16xi32>
        %gather3A_379 = tpu.dynamic_gather %get3A_150[%gather3A_378] in [0] : vector<16xf32>, vector<16xi32> -> vector<16xf32>
        %eq3A_380 = arith.cmpf oeq, %gather3A_379, %convert_element_type3A_41 : vector<16xf32>
        %select_n3A_381 = arith.select %eq3A_380, %broadcast_in_dim3A_46, %broadcast_in_dim3A_48 : vector<16xi1>, vector<16xf32>
        %broadcast_in_dim3A_382 = vector.broadcast %add3A_127 : i32 to vector<16xi32>
        %add3A_383 = arith.constant 368 : i32
        %add3A_384 = vector.broadcast %add3A_383 : i32 to vector<16xi32>
        %add3A_385 = arith.addi %add3A_384, %iota3A : vector<16xi32>
        %lt3A_386 = arith.constant 12 : i32
        %lt3A_387 = vector.broadcast %lt3A_386 : i32 to vector<16xi32>
        %lt3A_388 = arith.cmpi slt, %iota3A, %lt3A_387 : vector<16xi32>
        tpu.vector_store_idx %arg6[%broadcast_in_dim3A_382, %add3A_385], %select_n3A_381 masked %lt3A_388 : memref<64x380xf32, #tpu.memory_space<vmem>>[vector<16xi32>, vector<16xi32>], vector<16xf32>, vector<16xi1>
      }
      %scan3A_78 = arith.constant 64 : i32
      %mul3A_79 = arith.constant 64 : i32
      %mul3A_80 = arith.muli %add3A_66, %mul3A_79 : i32
      %add3A_81 = arith.addi %mul3A_2, %mul3A_80 : i32
      %dma_start3A_82 = arith.constant 0 : i32
      %dma_start3A_83 = tpu.memref_slice %arg3[%add3A_81, %dma_start3A_82] : memref<16384x380xf32, #tpu.memory_space<hbm>> -> memref<64x380xf32, #tpu.memory_space<hbm>>
      %dma_start3A_84 = arith.constant 0 : i32
      %dma_start3A_85 = tpu.memref_slice %arg3[%add3A_81, %dma_start3A_84] : memref<16384x380xf32, #tpu.memory_space<hbm>> -> memref<64x380xf32, #tpu.memory_space<hbm>>
      tpu.enqueue_dma source(%arg6 : memref<64x380xf32, #tpu.memory_space<vmem>>) target(%dma_start3A_85 : memref<64x380xf32, #tpu.memory_space<hbm>>) target_semaphore(%arg10 : memref<!tpu.dma_semaphore, #tpu.memory_space<semaphore_mem>>)
      %add3A_86 = arith.constant 2 : i32
      %add3A_87 = arith.addi %add3A_66, %add3A_86 : i32
      %lt3A_88 = arith.constant 8 : i32
      %lt3A_89 = arith.cmpi slt, %add3A_87, %lt3A_88 : i32
      %convert_element_type3A_90 = arith.extui %lt3A_89 : i1 to i32
      %cond3A_91 = arith.constant 0 : i32
      %cond3A_92 = arith.cmpi ne, %convert_element_type3A_90, %cond3A_91 : i32
      scf.if %cond3A_92 {
        %add3A_123 = arith.constant 2 : i32
        %add3A_124 = arith.addi %add3A_66, %add3A_123 : i32
        %mul3A_125 = arith.constant 64 : i32
        %mul3A_126 = arith.muli %add3A_124, %mul3A_125 : i32
        %add3A_127 = arith.addi %mul3A_2, %mul3A_126 : i32
        %dma_start3A_128 = arith.constant 0 : i32
        %dma_start3A_129 = tpu.memref_slice %arg2[%add3A_127, %dma_start3A_128] : memref<16384x100xf32, #tpu.memory_space<hbm>> -> memref<64x100xf32, #tpu.memory_space<hbm>>
        %dma_start3A_130 = arith.constant 0 : i32
        %dma_start3A_131 = tpu.memref_slice %arg2[%add3A_127, %dma_start3A_130] : memref<16384x100xf32, #tpu.memory_space<hbm>> -> memref<64x100xf32, #tpu.memory_space<hbm>>
        tpu.enqueue_dma source(%dma_start3A_131 : memref<64x100xf32, #tpu.memory_space<hbm>>) target(%arg4 : memref<64x100xf32, #tpu.memory_space<vmem>>) target_semaphore(%arg8 : memref<!tpu.dma_semaphore, #tpu.memory_space<semaphore_mem>>)
      } else {
      }
      %add3A_93 = arith.constant 1 : i32
      %add3A_94 = arith.addi %add3A_64, %add3A_93 : i32
      %dma_wait3A_95 = arith.constant 0 : i32
      %dma_wait3A_96 = tpu.memref_slice %arg2[%mul3A_2, %dma_wait3A_95] : memref<16384x100xf32, #tpu.memory_space<hbm>> -> memref<64x100xf32, #tpu.memory_space<hbm>>
      %dma_wait3A_97 = arith.constant 0 : i32
      %dma_wait3A_98 = tpu.memref_slice %arg2[%mul3A_2, %dma_wait3A_97] : memref<16384x100xf32, #tpu.memory_space<hbm>> -> memref<64x100xf32, #tpu.memory_space<hbm>>
      tpu.wait_dma2 semaphore(%arg9 : memref<!tpu.dma_semaphore, #tpu.memory_space<semaphore_mem>>) src(%dma_wait3A_98 : memref<64x100xf32, #tpu.memory_space<hbm>>) dst(%arg5 : memref<64x100xf32, #tpu.memory_space<vmem>>)
      %ge3A_99 = arith.constant 2 : i32
      %ge3A_100 = arith.cmpi sge, %add3A_94, %ge3A_99 : i32
      %convert_element_type3A_101 = arith.extui %ge3A_100 : i1 to i32
      %cond3A_102 = arith.constant 0 : i32
      %cond3A_103 = arith.cmpi ne, %convert_element_type3A_101, %cond3A_102 : i32
      scf.if %cond3A_103 {
        %dma_wait3A_123 = arith.constant 0 : i32
        %dma_wait3A_124 = tpu.memref_slice %arg3[%mul3A_2, %dma_wait3A_123] : memref<16384x380xf32, #tpu.memory_space<hbm>> -> memref<64x380xf32, #tpu.memory_space<hbm>>
        %dma_wait3A_125 = arith.constant 0 : i32
        %dma_wait3A_126 = tpu.memref_slice %arg3[%mul3A_2, %dma_wait3A_125] : memref<16384x380xf32, #tpu.memory_space<hbm>> -> memref<64x380xf32, #tpu.memory_space<hbm>>
        tpu.wait_dma2 semaphore(%arg11 : memref<!tpu.dma_semaphore, #tpu.memory_space<semaphore_mem>>) src(%arg7 : memref<64x380xf32, #tpu.memory_space<vmem>>) dst(%dma_wait3A_126 : memref<64x380xf32, #tpu.memory_space<hbm>>)
      } else {
      }
      %scan3A_104 = arith.constant 0 : i32
      %scan3A_105 = arith.constant 64 : i32
      %scan3A_106 = arith.addi %scan3A_104, %scan3A_105 : i32
      %scan3A_107 = arith.constant 1 : i32
      scf.for %scan3A_123 = %scan3A_104 to %scan3A_106 step %scan3A_107  : i32 {
        %mul3A_124 = arith.constant 1 : i32
        %mul3A_125 = arith.muli %scan3A_123, %mul3A_124 : i32
        %add3A_126 = arith.constant 0 : i32
        %add3A_127 = arith.addi %add3A_126, %mul3A_125 : i32
        %get3A = arith.index_cast %add3A_127 : i32 to index
        %get3A_128 = arith.constant 0 : index
        %get3A_129 = tpu.vector_load %arg5[%get3A, %get3A_128] {strides = array<i32>} : memref<64x100xf32, #tpu.memory_space<vmem>>, vector<16xf32>,
        %get3A_130 = arith.index_cast %add3A_127 : i32 to index
        %get3A_131 = arith.constant 16 : index
        %get3A_132 = tpu.vector_load %arg5[%get3A_130, %get3A_131] {strides = array<i32>} : memref<64x100xf32, #tpu.memory_space<vmem>>, vector<16xf32>,
        %get3A_133 = arith.index_cast %add3A_127 : i32 to index
        %get3A_134 = arith.constant 32 : index
        %get3A_135 = tpu.vector_load %arg5[%get3A_133, %get3A_134] {strides = array<i32>} : memref<64x100xf32, #tpu.memory_space<vmem>>, vector<16xf32>,
        %get3A_136 = arith.index_cast %add3A_127 : i32 to index
        %get3A_137 = arith.constant 48 : index
        %get3A_138 = tpu.vector_load %arg5[%get3A_136, %get3A_137] {strides = array<i32>} : memref<64x100xf32, #tpu.memory_space<vmem>>, vector<16xf32>,
        %get3A_139 = arith.index_cast %add3A_127 : i32 to index
        %get3A_140 = arith.constant 61 : index
        %get3A_141 = tpu.vector_load %arg5[%get3A_139, %get3A_140] {strides = array<i32>} : memref<64x100xf32, #tpu.memory_space<vmem>>, vector<16xf32>,
        %get3A_142 = arith.index_cast %add3A_127 : i32 to index
        %get3A_143 = arith.constant 77 : index
        %get3A_144 = tpu.vector_load %arg5[%get3A_142, %get3A_143] {strides = array<i32>} : memref<64x100xf32, #tpu.memory_space<vmem>>, vector<16xf32>,
        %get3A_145 = arith.index_cast %add3A_127 : i32 to index
        %get3A_146 = arith.constant 80 : index
        %get3A_147 = tpu.vector_load %arg5[%get3A_145, %get3A_146] {strides = array<i32>} : memref<64x100xf32, #tpu.memory_space<vmem>>, vector<16xf32>,
        %get3A_148 = arith.index_cast %add3A_127 : i32 to index
        %get3A_149 = arith.constant 84 : index
        %get3A_150 = tpu.vector_load %arg5[%get3A_148, %get3A_149] {strides = array<i32>} : memref<64x100xf32, #tpu.memory_space<vmem>>, vector<16xf32>,
        %swap3A = arith.index_cast %add3A_127 : i32 to index
        %swap3A_151 = arith.constant 0 : index
        %swap3A_152 = tpu.vector_load %arg7[%swap3A, %swap3A_151] {strides = array<i32>} : memref<64x380xf32, #tpu.memory_space<vmem>>, vector<16xf32>,
        tpu.vector_store %arg7[%swap3A, %swap3A_151], %get3A_129 {strides = array<i32>} : memref<64x380xf32, #tpu.memory_space<vmem>>, vector<16xf32>,
        %swap3A_153 = arith.index_cast %add3A_127 : i32 to index
        %swap3A_154 = arith.constant 16 : index
        %swap3A_155 = tpu.vector_load %arg7[%swap3A_153, %swap3A_154] {strides = array<i32>} : memref<64x380xf32, #tpu.memory_space<vmem>>, vector<16xf32>,
        tpu.vector_store %arg7[%swap3A_153, %swap3A_154], %get3A_132 {strides = array<i32>} : memref<64x380xf32, #tpu.memory_space<vmem>>, vector<16xf32>,
        %swap3A_156 = arith.index_cast %add3A_127 : i32 to index
        %swap3A_157 = arith.constant 32 : index
        %swap3A_158 = tpu.vector_load %arg7[%swap3A_156, %swap3A_157] {strides = array<i32>} : memref<64x380xf32, #tpu.memory_space<vmem>>, vector<16xf32>,
        tpu.vector_store %arg7[%swap3A_156, %swap3A_157], %get3A_135 {strides = array<i32>} : memref<64x380xf32, #tpu.memory_space<vmem>>, vector<16xf32>,
        %broadcast_in_dim3A_159 = vector.shape_cast %min3A_43 : vector<16xi32> to vector<16x1xi32>
        %gather3A = vector.shape_cast %broadcast_in_dim3A_159 : vector<16x1xi32> to vector<16xi32>
        %gather3A_160 = tpu.dynamic_gather %get3A_138[%gather3A] in [0] : vector<16xf32>, vector<16xi32> -> vector<16xf32>
        %eq3A = arith.cmpf oeq, %gather3A_160, %convert_element_type3A : vector<16xf32>
        %select_n3A = arith.select %eq3A, %broadcast_in_dim3A_46, %broadcast_in_dim3A_48 : vector<16xi1>, vector<16xf32>
        %select_n3A_161 = arith.select %lt3A_45, %gather3A_160, %select_n3A : vector<16xi1>, vector<16xf32>
        %swap3A_162 = arith.index_cast %add3A_127 : i32 to index
        %swap3A_163 = arith.constant 48 : index
        %swap3A_164 = tpu.vector_load %arg7[%swap3A_162, %swap3A_163] {strides = array<i32>} : memref<64x380xf32, #tpu.memory_space<vmem>>, vector<16xf32>,
        tpu.vector_store %arg7[%swap3A_162, %swap3A_163], %select_n3A_161 {strides = array<i32>} : memref<64x380xf32, #tpu.memory_space<vmem>>, vector<16xf32>,
        %add3A_165 = arith.constant 0 : i32
        %add3A_166 = vector.broadcast %add3A_165 : i32 to vector<16xi32>
        %add3A_167 = arith.addi %add3A_166, %shift_right_arithmetic3A_13 : vector<16xi32>
        %broadcast_in_dim3A_168 = vector.shape_cast %add3A_167 : vector<16xi32> to vector<16x1xi32>
        %gather3A_169 = vector.shape_cast %broadcast_in_dim3A_168 : vector<16x1xi32> to vector<16xi32>
        %gather3A_170 = tpu.dynamic_gather %get3A_141[%gather3A_169] in [0] : vector<16xf32>, vector<16xi32> -> vector<16xf32>
        %eq3A_171 = arith.cmpf oeq, %gather3A_170, %convert_element_type3A : vector<16xf32>
        %select_n3A_172 = arith.select %eq3A_171, %broadcast_in_dim3A_46, %broadcast_in_dim3A_48 : vector<16xi1>, vector<16xf32>
        %swap3A_173 = arith.index_cast %add3A_127 : i32 to index
        %swap3A_174 = arith.constant 64 : index
        %swap3A_175 = tpu.vector_load %arg7[%swap3A_173, %swap3A_174] {strides = array<i32>} : memref<64x380xf32, #tpu.memory_space<vmem>>, vector<16xf32>,
        tpu.vector_store %arg7[%swap3A_173, %swap3A_174], %select_n3A_172 {strides = array<i32>} : memref<64x380xf32, #tpu.memory_space<vmem>>, vector<16xf32>,
        %add3A_176 = arith.constant 4 : i32
        %add3A_177 = vector.broadcast %add3A_176 : i32 to vector<16xi32>
        %add3A_178 = arith.addi %add3A_177, %shift_right_arithmetic3A_13 : vector<16xi32>
        %broadcast_in_dim3A_179 = vector.shape_cast %add3A_178 : vector<16xi32> to vector<16x1xi32>
        %gather3A_180 = vector.shape_cast %broadcast_in_dim3A_179 : vector<16x1xi32> to vector<16xi32>
        %gather3A_181 = tpu.dynamic_gather %get3A_141[%gather3A_180] in [0] : vector<16xf32>, vector<16xi32> -> vector<16xf32>
        %eq3A_182 = arith.cmpf oeq, %gather3A_181, %convert_element_type3A : vector<16xf32>
        %select_n3A_183 = arith.select %eq3A_182, %broadcast_in_dim3A_46, %broadcast_in_dim3A_48 : vector<16xi1>, vector<16xf32>
        %swap3A_184 = arith.index_cast %add3A_127 : i32 to index
        %swap3A_185 = arith.constant 80 : index
        %swap3A_186 = tpu.vector_load %arg7[%swap3A_184, %swap3A_185] {strides = array<i32>} : memref<64x380xf32, #tpu.memory_space<vmem>>, vector<16xf32>,
        tpu.vector_store %arg7[%swap3A_184, %swap3A_185], %select_n3A_183 {strides = array<i32>} : memref<64x380xf32, #tpu.memory_space<vmem>>, vector<16xf32>,
        %add3A_187 = arith.constant 8 : i32
        %add3A_188 = vector.broadcast %add3A_187 : i32 to vector<16xi32>
        %add3A_189 = arith.addi %add3A_188, %shift_right_arithmetic3A_13 : vector<16xi32>
        %broadcast_in_dim3A_190 = vector.shape_cast %add3A_189 : vector<16xi32> to vector<16x1xi32>
        %gather3A_191 = vector.shape_cast %broadcast_in_dim3A_190 : vector<16x1xi32> to vector<16xi32>
        %gather3A_192 = tpu.dynamic_gather %get3A_141[%gather3A_191] in [0] : vector<16xf32>, vector<16xi32> -> vector<16xf32>
        %eq3A_193 = arith.cmpf oeq, %gather3A_192, %convert_element_type3A : vector<16xf32>
        %select_n3A_194 = arith.select %eq3A_193, %broadcast_in_dim3A_46, %broadcast_in_dim3A_48 : vector<16xi1>, vector<16xf32>
        %swap3A_195 = arith.index_cast %add3A_127 : i32 to index
        %swap3A_196 = arith.constant 96 : index
        %swap3A_197 = tpu.vector_load %arg7[%swap3A_195, %swap3A_196] {strides = array<i32>} : memref<64x380xf32, #tpu.memory_space<vmem>>, vector<16xf32>,
        tpu.vector_store %arg7[%swap3A_195, %swap3A_196], %select_n3A_194 {strides = array<i32>} : memref<64x380xf32, #tpu.memory_space<vmem>>, vector<16xf32>,
        %add3A_198 = arith.constant 12 : i32
        %add3A_199 = vector.broadcast %add3A_198 : i32 to vector<16xi32>
        %add3A_200 = arith.addi %add3A_199, %shift_right_arithmetic3A_13 : vector<16xi32>
        %broadcast_in_dim3A_201 = vector.shape_cast %add3A_200 : vector<16xi32> to vector<16x1xi32>
        %gather3A_202 = vector.shape_cast %broadcast_in_dim3A_201 : vector<16x1xi32> to vector<16xi32>
        %gather3A_203 = tpu.dynamic_gather %get3A_141[%gather3A_202] in [0] : vector<16xf32>, vector<16xi32> -> vector<16xf32>
        %eq3A_204 = arith.cmpf oeq, %gather3A_203, %convert_element_type3A : vector<16xf32>
        %select_n3A_205 = arith.select %eq3A_204, %broadcast_in_dim3A_46, %broadcast_in_dim3A_48 : vector<16xi1>, vector<16xf32>
        %swap3A_206 = arith.index_cast %add3A_127 : i32 to index
        %swap3A_207 = arith.constant 112 : index
        %swap3A_208 = tpu.vector_load %arg7[%swap3A_206, %swap3A_207] {strides = array<i32>} : memref<64x380xf32, #tpu.memory_space<vmem>>, vector<16xf32>,
        tpu.vector_store %arg7[%swap3A_206, %swap3A_207], %select_n3A_205 {strides = array<i32>} : memref<64x380xf32, #tpu.memory_space<vmem>>, vector<16xf32>,
        %broadcast_in_dim3A_209 = vector.shape_cast %shift_right_arithmetic3A_13 : vector<16xi32> to vector<16x1xi32>
        %gather3A_210 = vector.shape_cast %broadcast_in_dim3A_209 : vector<16x1xi32> to vector<16xi32>
        %gather3A_211 = tpu.dynamic_gather %get3A_144[%gather3A_210] in [0] : vector<16xf32>, vector<16xi32> -> vector<16xf32>
        %eq3A_212 = arith.cmpf oeq, %gather3A_211, %convert_element_type3A : vector<16xf32>
        %select_n3A_213 = arith.select %eq3A_212, %broadcast_in_dim3A_46, %broadcast_in_dim3A_48 : vector<16xi1>, vector<16xf32>
        %swap3A_214 = arith.index_cast %add3A_127 : i32 to index
        %swap3A_215 = arith.constant 128 : index
        %swap3A_216 = tpu.vector_load %arg7[%swap3A_214, %swap3A_215] {strides = array<i32>} : memref<64x380xf32, #tpu.memory_space<vmem>>, vector<16xf32>,
        tpu.vector_store %arg7[%swap3A_214, %swap3A_215], %select_n3A_213 {strides = array<i32>} : memref<64x380xf32, #tpu.memory_space<vmem>>, vector<16xf32>,
        %add3A_217 = arith.constant 0 : i32
        %add3A_218 = vector.broadcast %add3A_217 : i32 to vector<16xi32>
        %add3A_219 = arith.addi %add3A_218, %shift_right_arithmetic3A_19 : vector<16xi32>
        %broadcast_in_dim3A_220 = vector.shape_cast %add3A_219 : vector<16xi32> to vector<16x1xi32>
        %gather3A_221 = vector.shape_cast %broadcast_in_dim3A_220 : vector<16x1xi32> to vector<16xi32>
        %gather3A_222 = tpu.dynamic_gather %get3A_147[%gather3A_221] in [0] : vector<16xf32>, vector<16xi32> -> vector<16xf32>
        %eq3A_223 = arith.cmpf oeq, %gather3A_222, %convert_element_type3A_34 : vector<16xf32>
        %select_n3A_224 = arith.select %eq3A_223, %broadcast_in_dim3A_46, %broadcast_in_dim3A_48 : vector<16xi1>, vector<16xf32>
        %swap3A_225 = arith.index_cast %add3A_127 : i32 to index
        %swap3A_226 = arith.constant 144 : index
        %swap3A_227 = tpu.vector_load %arg7[%swap3A_225, %swap3A_226] {strides = array<i32>} : memref<64x380xf32, #tpu.memory_space<vmem>>, vector<16xf32>,
        tpu.vector_store %arg7[%swap3A_225, %swap3A_226], %select_n3A_224 {strides = array<i32>} : memref<64x380xf32, #tpu.memory_space<vmem>>, vector<16xf32>,
        %add3A_228 = arith.constant 2 : i32
        %add3A_229 = vector.broadcast %add3A_228 : i32 to vector<16xi32>
        %add3A_230 = arith.addi %add3A_229, %shift_right_arithmetic3A_19 : vector<16xi32>
        %broadcast_in_dim3A_231 = vector.shape_cast %add3A_230 : vector<16xi32> to vector<16x1xi32>
        %gather3A_232 = vector.shape_cast %broadcast_in_dim3A_231 : vector<16x1xi32> to vector<16xi32>
        %gather3A_233 = tpu.dynamic_gather %get3A_147[%gather3A_232] in [0] : vector<16xf32>, vector<16xi32> -> vector<16xf32>
        %eq3A_234 = arith.cmpf oeq, %gather3A_233, %convert_element_type3A_34 : vector<16xf32>
        %select_n3A_235 = arith.select %eq3A_234, %broadcast_in_dim3A_46, %broadcast_in_dim3A_48 : vector<16xi1>, vector<16xf32>
        %swap3A_236 = arith.index_cast %add3A_127 : i32 to index
        %swap3A_237 = arith.constant 160 : index
        %swap3A_238 = tpu.vector_load %arg7[%swap3A_236, %swap3A_237] {strides = array<i32>} : memref<64x380xf32, #tpu.memory_space<vmem>>, vector<16xf32>,
        tpu.vector_store %arg7[%swap3A_236, %swap3A_237], %select_n3A_235 {strides = array<i32>} : memref<64x380xf32, #tpu.memory_space<vmem>>, vector<16xf32>,
        %add3A_239 = arith.constant 4 : i32
        %add3A_240 = vector.broadcast %add3A_239 : i32 to vector<16xi32>
        %add3A_241 = arith.addi %add3A_240, %shift_right_arithmetic3A_19 : vector<16xi32>
        %broadcast_in_dim3A_242 = vector.shape_cast %add3A_241 : vector<16xi32> to vector<16x1xi32>
        %gather3A_243 = vector.shape_cast %broadcast_in_dim3A_242 : vector<16x1xi32> to vector<16xi32>
        %gather3A_244 = tpu.dynamic_gather %get3A_147[%gather3A_243] in [0] : vector<16xf32>, vector<16xi32> -> vector<16xf32>
        %eq3A_245 = arith.cmpf oeq, %gather3A_244, %convert_element_type3A_34 : vector<16xf32>
        %select_n3A_246 = arith.select %eq3A_245, %broadcast_in_dim3A_46, %broadcast_in_dim3A_48 : vector<16xi1>, vector<16xf32>
        %swap3A_247 = arith.index_cast %add3A_127 : i32 to index
        %swap3A_248 = arith.constant 176 : index
        %swap3A_249 = tpu.vector_load %arg7[%swap3A_247, %swap3A_248] {strides = array<i32>} : memref<64x380xf32, #tpu.memory_space<vmem>>, vector<16xf32>,
        tpu.vector_store %arg7[%swap3A_247, %swap3A_248], %select_n3A_246 {strides = array<i32>} : memref<64x380xf32, #tpu.memory_space<vmem>>, vector<16xf32>,
        %add3A_250 = arith.constant 6 : i32
        %add3A_251 = vector.broadcast %add3A_250 : i32 to vector<16xi32>
        %add3A_252 = arith.addi %add3A_251, %shift_right_arithmetic3A_19 : vector<16xi32>
        %broadcast_in_dim3A_253 = vector.shape_cast %add3A_252 : vector<16xi32> to vector<16x1xi32>
        %gather3A_254 = vector.shape_cast %broadcast_in_dim3A_253 : vector<16x1xi32> to vector<16xi32>
        %gather3A_255 = tpu.dynamic_gather %get3A_147[%gather3A_254] in [0] : vector<16xf32>, vector<16xi32> -> vector<16xf32>
        %eq3A_256 = arith.cmpf oeq, %gather3A_255, %convert_element_type3A_34 : vector<16xf32>
        %select_n3A_257 = arith.select %eq3A_256, %broadcast_in_dim3A_46, %broadcast_in_dim3A_48 : vector<16xi1>, vector<16xf32>
        %swap3A_258 = arith.index_cast %add3A_127 : i32 to index
        %swap3A_259 = arith.constant 192 : index
        %swap3A_260 = tpu.vector_load %arg7[%swap3A_258, %swap3A_259] {strides = array<i32>} : memref<64x380xf32, #tpu.memory_space<vmem>>, vector<16xf32>,
        tpu.vector_store %arg7[%swap3A_258, %swap3A_259], %select_n3A_257 {strides = array<i32>} : memref<64x380xf32, #tpu.memory_space<vmem>>, vector<16xf32>,
        %add3A_261 = arith.constant 4 : i32
        %add3A_262 = vector.broadcast %add3A_261 : i32 to vector<16xi32>
        %add3A_263 = arith.addi %add3A_262, %shift_right_arithmetic3A_19 : vector<16xi32>
        %broadcast_in_dim3A_264 = vector.shape_cast %add3A_263 : vector<16xi32> to vector<16x1xi32>
        %gather3A_265 = vector.shape_cast %broadcast_in_dim3A_264 : vector<16x1xi32> to vector<16xi32>
        %gather3A_266 = tpu.dynamic_gather %get3A_150[%gather3A_265] in [0] : vector<16xf32>, vector<16xi32> -> vector<16xf32>
        %eq3A_267 = arith.cmpf oeq, %gather3A_266, %convert_element_type3A_34 : vector<16xf32>
        %select_n3A_268 = arith.select %eq3A_267, %broadcast_in_dim3A_46, %broadcast_in_dim3A_48 : vector<16xi1>, vector<16xf32>
        %swap3A_269 = arith.index_cast %add3A_127 : i32 to index
        %swap3A_270 = arith.constant 208 : index
        %swap3A_271 = tpu.vector_load %arg7[%swap3A_269, %swap3A_270] {strides = array<i32>} : memref<64x380xf32, #tpu.memory_space<vmem>>, vector<16xf32>,
        tpu.vector_store %arg7[%swap3A_269, %swap3A_270], %select_n3A_268 {strides = array<i32>} : memref<64x380xf32, #tpu.memory_space<vmem>>, vector<16xf32>,
        %add3A_272 = arith.constant 6 : i32
        %add3A_273 = vector.broadcast %add3A_272 : i32 to vector<16xi32>
        %add3A_274 = arith.addi %add3A_273, %shift_right_arithmetic3A_25 : vector<16xi32>
        %broadcast_in_dim3A_275 = vector.shape_cast %add3A_274 : vector<16xi32> to vector<16x1xi32>
        %gather3A_276 = vector.shape_cast %broadcast_in_dim3A_275 : vector<16x1xi32> to vector<16xi32>
        %gather3A_277 = tpu.dynamic_gather %get3A_150[%gather3A_276] in [0] : vector<16xf32>, vector<16xi32> -> vector<16xf32>
        %eq3A_278 = arith.cmpf oeq, %gather3A_277, %convert_element_type3A_41 : vector<16xf32>
        %select_n3A_279 = arith.select %eq3A_278, %broadcast_in_dim3A_46, %broadcast_in_dim3A_48 : vector<16xi1>, vector<16xf32>
        %swap3A_280 = arith.index_cast %add3A_127 : i32 to index
        %swap3A_281 = arith.constant 224 : index
        %swap3A_282 = tpu.vector_load %arg7[%swap3A_280, %swap3A_281] {strides = array<i32>} : memref<64x380xf32, #tpu.memory_space<vmem>>, vector<16xf32>,
        tpu.vector_store %arg7[%swap3A_280, %swap3A_281], %select_n3A_279 {strides = array<i32>} : memref<64x380xf32, #tpu.memory_space<vmem>>, vector<16xf32>,
        %add3A_283 = arith.constant 7 : i32
        %add3A_284 = vector.broadcast %add3A_283 : i32 to vector<16xi32>
        %add3A_285 = arith.addi %add3A_284, %shift_right_arithmetic3A_25 : vector<16xi32>
        %broadcast_in_dim3A_286 = vector.shape_cast %add3A_285 : vector<16xi32> to vector<16x1xi32>
        %gather3A_287 = vector.shape_cast %broadcast_in_dim3A_286 : vector<16x1xi32> to vector<16xi32>
        %gather3A_288 = tpu.dynamic_gather %get3A_150[%gather3A_287] in [0] : vector<16xf32>, vector<16xi32> -> vector<16xf32>
        %eq3A_289 = arith.cmpf oeq, %gather3A_288, %convert_element_type3A_41 : vector<16xf32>
        %select_n3A_290 = arith.select %eq3A_289, %broadcast_in_dim3A_46, %broadcast_in_dim3A_48 : vector<16xi1>, vector<16xf32>
        %swap3A_291 = arith.index_cast %add3A_127 : i32 to index
        %swap3A_292 = arith.constant 240 : index
        %swap3A_293 = tpu.vector_load %arg7[%swap3A_291, %swap3A_292] {strides = array<i32>} : memref<64x380xf32, #tpu.memory_space<vmem>>, vector<16xf32>,
        tpu.vector_store %arg7[%swap3A_291, %swap3A_292], %select_n3A_290 {strides = array<i32>} : memref<64x380xf32, #tpu.memory_space<vmem>>, vector<16xf32>,
        %add3A_294 = arith.constant 8 : i32
        %add3A_295 = vector.broadcast %add3A_294 : i32 to vector<16xi32>
        %add3A_296 = arith.addi %add3A_295, %shift_right_arithmetic3A_25 : vector<16xi32>
        %broadcast_in_dim3A_297 = vector.shape_cast %add3A_296 : vector<16xi32> to vector<16x1xi32>
        %gather3A_298 = vector.shape_cast %broadcast_in_dim3A_297 : vector<16x1xi32> to vector<16xi32>
        %gather3A_299 = tpu.dynamic_gather %get3A_150[%gather3A_298] in [0] : vector<16xf32>, vector<16xi32> -> vector<16xf32>
        %eq3A_300 = arith.cmpf oeq, %gather3A_299, %convert_element_type3A_41 : vector<16xf32>
        %select_n3A_301 = arith.select %eq3A_300, %broadcast_in_dim3A_46, %broadcast_in_dim3A_48 : vector<16xi1>, vector<16xf32>
        %swap3A_302 = arith.index_cast %add3A_127 : i32 to index
        %swap3A_303 = arith.constant 256 : index
        %swap3A_304 = tpu.vector_load %arg7[%swap3A_302, %swap3A_303] {strides = array<i32>} : memref<64x380xf32, #tpu.memory_space<vmem>>, vector<16xf32>,
        tpu.vector_store %arg7[%swap3A_302, %swap3A_303], %select_n3A_301 {strides = array<i32>} : memref<64x380xf32, #tpu.memory_space<vmem>>, vector<16xf32>,
        %add3A_305 = arith.constant 9 : i32
        %add3A_306 = vector.broadcast %add3A_305 : i32 to vector<16xi32>
        %add3A_307 = arith.addi %add3A_306, %shift_right_arithmetic3A_25 : vector<16xi32>
        %broadcast_in_dim3A_308 = vector.shape_cast %add3A_307 : vector<16xi32> to vector<16x1xi32>
        %gather3A_309 = vector.shape_cast %broadcast_in_dim3A_308 : vector<16x1xi32> to vector<16xi32>
        %gather3A_310 = tpu.dynamic_gather %get3A_150[%gather3A_309] in [0] : vector<16xf32>, vector<16xi32> -> vector<16xf32>
        %eq3A_311 = arith.cmpf oeq, %gather3A_310, %convert_element_type3A_41 : vector<16xf32>
        %select_n3A_312 = arith.select %eq3A_311, %broadcast_in_dim3A_46, %broadcast_in_dim3A_48 : vector<16xi1>, vector<16xf32>
        %swap3A_313 = arith.index_cast %add3A_127 : i32 to index
        %swap3A_314 = arith.constant 272 : index
        %swap3A_315 = tpu.vector_load %arg7[%swap3A_313, %swap3A_314] {strides = array<i32>} : memref<64x380xf32, #tpu.memory_space<vmem>>, vector<16xf32>,
        tpu.vector_store %arg7[%swap3A_313, %swap3A_314], %select_n3A_312 {strides = array<i32>} : memref<64x380xf32, #tpu.memory_space<vmem>>, vector<16xf32>,
        %add3A_316 = arith.constant 10 : i32
        %add3A_317 = vector.broadcast %add3A_316 : i32 to vector<16xi32>
        %add3A_318 = arith.addi %add3A_317, %shift_right_arithmetic3A_25 : vector<16xi32>
        %broadcast_in_dim3A_319 = vector.shape_cast %add3A_318 : vector<16xi32> to vector<16x1xi32>
        %gather3A_320 = vector.shape_cast %broadcast_in_dim3A_319 : vector<16x1xi32> to vector<16xi32>
        %gather3A_321 = tpu.dynamic_gather %get3A_150[%gather3A_320] in [0] : vector<16xf32>, vector<16xi32> -> vector<16xf32>
        %eq3A_322 = arith.cmpf oeq, %gather3A_321, %convert_element_type3A_41 : vector<16xf32>
        %select_n3A_323 = arith.select %eq3A_322, %broadcast_in_dim3A_46, %broadcast_in_dim3A_48 : vector<16xi1>, vector<16xf32>
        %swap3A_324 = arith.index_cast %add3A_127 : i32 to index
        %swap3A_325 = arith.constant 288 : index
        %swap3A_326 = tpu.vector_load %arg7[%swap3A_324, %swap3A_325] {strides = array<i32>} : memref<64x380xf32, #tpu.memory_space<vmem>>, vector<16xf32>,
        tpu.vector_store %arg7[%swap3A_324, %swap3A_325], %select_n3A_323 {strides = array<i32>} : memref<64x380xf32, #tpu.memory_space<vmem>>, vector<16xf32>,
        %add3A_327 = arith.constant 11 : i32
        %add3A_328 = vector.broadcast %add3A_327 : i32 to vector<16xi32>
        %add3A_329 = arith.addi %add3A_328, %shift_right_arithmetic3A_25 : vector<16xi32>
        %broadcast_in_dim3A_330 = vector.shape_cast %add3A_329 : vector<16xi32> to vector<16x1xi32>
        %gather3A_331 = vector.shape_cast %broadcast_in_dim3A_330 : vector<16x1xi32> to vector<16xi32>
        %gather3A_332 = tpu.dynamic_gather %get3A_150[%gather3A_331] in [0] : vector<16xf32>, vector<16xi32> -> vector<16xf32>
        %eq3A_333 = arith.cmpf oeq, %gather3A_332, %convert_element_type3A_41 : vector<16xf32>
        %select_n3A_334 = arith.select %eq3A_333, %broadcast_in_dim3A_46, %broadcast_in_dim3A_48 : vector<16xi1>, vector<16xf32>
        %swap3A_335 = arith.index_cast %add3A_127 : i32 to index
        %swap3A_336 = arith.constant 304 : index
        %swap3A_337 = tpu.vector_load %arg7[%swap3A_335, %swap3A_336] {strides = array<i32>} : memref<64x380xf32, #tpu.memory_space<vmem>>, vector<16xf32>,
        tpu.vector_store %arg7[%swap3A_335, %swap3A_336], %select_n3A_334 {strides = array<i32>} : memref<64x380xf32, #tpu.memory_space<vmem>>, vector<16xf32>,
        %add3A_338 = arith.constant 12 : i32
        %add3A_339 = vector.broadcast %add3A_338 : i32 to vector<16xi32>
        %add3A_340 = arith.addi %add3A_339, %shift_right_arithmetic3A_25 : vector<16xi32>
        %broadcast_in_dim3A_341 = vector.shape_cast %add3A_340 : vector<16xi32> to vector<16x1xi32>
        %gather3A_342 = vector.shape_cast %broadcast_in_dim3A_341 : vector<16x1xi32> to vector<16xi32>
        %gather3A_343 = tpu.dynamic_gather %get3A_150[%gather3A_342] in [0] : vector<16xf32>, vector<16xi32> -> vector<16xf32>
        %eq3A_344 = arith.cmpf oeq, %gather3A_343, %convert_element_type3A_41 : vector<16xf32>
        %select_n3A_345 = arith.select %eq3A_344, %broadcast_in_dim3A_46, %broadcast_in_dim3A_48 : vector<16xi1>, vector<16xf32>
        %swap3A_346 = arith.index_cast %add3A_127 : i32 to index
        %swap3A_347 = arith.constant 320 : index
        %swap3A_348 = tpu.vector_load %arg7[%swap3A_346, %swap3A_347] {strides = array<i32>} : memref<64x380xf32, #tpu.memory_space<vmem>>, vector<16xf32>,
        tpu.vector_store %arg7[%swap3A_346, %swap3A_347], %select_n3A_345 {strides = array<i32>} : memref<64x380xf32, #tpu.memory_space<vmem>>, vector<16xf32>,
        %add3A_349 = arith.constant 13 : i32
        %add3A_350 = vector.broadcast %add3A_349 : i32 to vector<16xi32>
        %add3A_351 = arith.addi %add3A_350, %shift_right_arithmetic3A_25 : vector<16xi32>
        %broadcast_in_dim3A_352 = vector.shape_cast %add3A_351 : vector<16xi32> to vector<16x1xi32>
        %gather3A_353 = vector.shape_cast %broadcast_in_dim3A_352 : vector<16x1xi32> to vector<16xi32>
        %gather3A_354 = tpu.dynamic_gather %get3A_150[%gather3A_353] in [0] : vector<16xf32>, vector<16xi32> -> vector<16xf32>
        %eq3A_355 = arith.cmpf oeq, %gather3A_354, %convert_element_type3A_41 : vector<16xf32>
        %select_n3A_356 = arith.select %eq3A_355, %broadcast_in_dim3A_46, %broadcast_in_dim3A_48 : vector<16xi1>, vector<16xf32>
        %swap3A_357 = arith.index_cast %add3A_127 : i32 to index
        %swap3A_358 = arith.constant 336 : index
        %swap3A_359 = tpu.vector_load %arg7[%swap3A_357, %swap3A_358] {strides = array<i32>} : memref<64x380xf32, #tpu.memory_space<vmem>>, vector<16xf32>,
        tpu.vector_store %arg7[%swap3A_357, %swap3A_358], %select_n3A_356 {strides = array<i32>} : memref<64x380xf32, #tpu.memory_space<vmem>>, vector<16xf32>,
        %add3A_360 = arith.constant 14 : i32
        %add3A_361 = vector.broadcast %add3A_360 : i32 to vector<16xi32>
        %add3A_362 = arith.addi %add3A_361, %shift_right_arithmetic3A_25 : vector<16xi32>
        %broadcast_in_dim3A_363 = vector.shape_cast %add3A_362 : vector<16xi32> to vector<16x1xi32>
        %gather3A_364 = vector.shape_cast %broadcast_in_dim3A_363 : vector<16x1xi32> to vector<16xi32>
        %gather3A_365 = tpu.dynamic_gather %get3A_150[%gather3A_364] in [0] : vector<16xf32>, vector<16xi32> -> vector<16xf32>
        %eq3A_366 = arith.cmpf oeq, %gather3A_365, %convert_element_type3A_41 : vector<16xf32>
        %select_n3A_367 = arith.select %eq3A_366, %broadcast_in_dim3A_46, %broadcast_in_dim3A_48 : vector<16xi1>, vector<16xf32>
        %swap3A_368 = arith.index_cast %add3A_127 : i32 to index
        %swap3A_369 = arith.constant 352 : index
        %swap3A_370 = tpu.vector_load %arg7[%swap3A_368, %swap3A_369] {strides = array<i32>} : memref<64x380xf32, #tpu.memory_space<vmem>>, vector<16xf32>,
        tpu.vector_store %arg7[%swap3A_368, %swap3A_369], %select_n3A_367 {strides = array<i32>} : memref<64x380xf32, #tpu.memory_space<vmem>>, vector<16xf32>,
        %add3A_371 = arith.constant 15 : i32
        %add3A_372 = vector.broadcast %add3A_371 : i32 to vector<16xi32>
        %add3A_373 = arith.addi %add3A_372, %shift_right_arithmetic3A_25 : vector<16xi32>
        %min3A_374 = arith.constant 15 : i32
        %min3A_375 = vector.broadcast %min3A_374 : i32 to vector<16xi32>
        %min3A_376 = arith.minsi %add3A_373, %min3A_375 : vector<16xi32>
        %broadcast_in_dim3A_377 = vector.shape_cast %min3A_376 : vector<16xi32> to vector<16x1xi32>
        %gather3A_378 = vector.shape_cast %broadcast_in_dim3A_377 : vector<16x1xi32> to vector<16xi32>
        %gather3A_379 = tpu.dynamic_gather %get3A_150[%gather3A_378] in [0] : vector<16xf32>, vector<16xi32> -> vector<16xf32>
        %eq3A_380 = arith.cmpf oeq, %gather3A_379, %convert_element_type3A_41 : vector<16xf32>
        %select_n3A_381 = arith.select %eq3A_380, %broadcast_in_dim3A_46, %broadcast_in_dim3A_48 : vector<16xi1>, vector<16xf32>
        %broadcast_in_dim3A_382 = vector.broadcast %add3A_127 : i32 to vector<16xi32>
        %add3A_383 = arith.constant 368 : i32
        %add3A_384 = vector.broadcast %add3A_383 : i32 to vector<16xi32>
        %add3A_385 = arith.addi %add3A_384, %iota3A : vector<16xi32>
        %lt3A_386 = arith.constant 12 : i32
        %lt3A_387 = vector.broadcast %lt3A_386 : i32 to vector<16xi32>
        %lt3A_388 = arith.cmpi slt, %iota3A, %lt3A_387 : vector<16xi32>
        tpu.vector_store_idx %arg7[%broadcast_in_dim3A_382, %add3A_385], %select_n3A_381 masked %lt3A_388 : memref<64x380xf32, #tpu.memory_space<vmem>>[vector<16xi32>, vector<16xi32>], vector<16xf32>, vector<16xi1>
      }
      %scan3A_108 = arith.constant 64 : i32
      %mul3A_109 = arith.constant 64 : i32
      %mul3A_110 = arith.muli %add3A_94, %mul3A_109 : i32
      %add3A_111 = arith.addi %mul3A_2, %mul3A_110 : i32
      %dma_start3A_112 = arith.constant 0 : i32
      %dma_start3A_113 = tpu.memref_slice %arg3[%add3A_111, %dma_start3A_112] : memref<16384x380xf32, #tpu.memory_space<hbm>> -> memref<64x380xf32, #tpu.memory_space<hbm>>
      %dma_start3A_114 = arith.constant 0 : i32
      %dma_start3A_115 = tpu.memref_slice %arg3[%add3A_111, %dma_start3A_114] : memref<16384x380xf32, #tpu.memory_space<hbm>> -> memref<64x380xf32, #tpu.memory_space<hbm>>
      tpu.enqueue_dma source(%arg7 : memref<64x380xf32, #tpu.memory_space<vmem>>) target(%dma_start3A_115 : memref<64x380xf32, #tpu.memory_space<hbm>>) target_semaphore(%arg11 : memref<!tpu.dma_semaphore, #tpu.memory_space<semaphore_mem>>)
      %add3A_116 = arith.constant 2 : i32
      %add3A_117 = arith.addi %add3A_94, %add3A_116 : i32
      %lt3A_118 = arith.constant 8 : i32
      %lt3A_119 = arith.cmpi slt, %add3A_117, %lt3A_118 : i32
      %convert_element_type3A_120 = arith.extui %lt3A_119 : i1 to i32
      %cond3A_121 = arith.constant 0 : i32
      %cond3A_122 = arith.cmpi ne, %convert_element_type3A_120, %cond3A_121 : i32
      scf.if %cond3A_122 {
        %add3A_123 = arith.constant 2 : i32
        %add3A_124 = arith.addi %add3A_94, %add3A_123 : i32
        %mul3A_125 = arith.constant 64 : i32
        %mul3A_126 = arith.muli %add3A_124, %mul3A_125 : i32
        %add3A_127 = arith.addi %mul3A_2, %mul3A_126 : i32
        %dma_start3A_128 = arith.constant 0 : i32
        %dma_start3A_129 = tpu.memref_slice %arg2[%add3A_127, %dma_start3A_128] : memref<16384x100xf32, #tpu.memory_space<hbm>> -> memref<64x100xf32, #tpu.memory_space<hbm>>
        %dma_start3A_130 = arith.constant 0 : i32
        %dma_start3A_131 = tpu.memref_slice %arg2[%add3A_127, %dma_start3A_130] : memref<16384x100xf32, #tpu.memory_space<hbm>> -> memref<64x100xf32, #tpu.memory_space<hbm>>
        tpu.enqueue_dma source(%dma_start3A_131 : memref<64x100xf32, #tpu.memory_space<hbm>>) target(%arg5 : memref<64x100xf32, #tpu.memory_space<vmem>>) target_semaphore(%arg9 : memref<!tpu.dma_semaphore, #tpu.memory_space<semaphore_mem>>)
      } else {
      }
    }
    %scan3A_52 = arith.constant 4 : i32
    %dma_wait3A = arith.constant 0 : i32
    %dma_wait3A_53 = tpu.memref_slice %arg3[%mul3A_2, %dma_wait3A] : memref<16384x380xf32, #tpu.memory_space<hbm>> -> memref<64x380xf32, #tpu.memory_space<hbm>>
    %dma_wait3A_54 = arith.constant 0 : i32
    %dma_wait3A_55 = tpu.memref_slice %arg3[%mul3A_2, %dma_wait3A_54] : memref<16384x380xf32, #tpu.memory_space<hbm>> -> memref<64x380xf32, #tpu.memory_space<hbm>>
    tpu.wait_dma2 semaphore(%arg10 : memref<!tpu.dma_semaphore, #tpu.memory_space<semaphore_mem>>) src(%arg6 : memref<64x380xf32, #tpu.memory_space<vmem>>) dst(%dma_wait3A_55 : memref<64x380xf32, #tpu.memory_space<hbm>>)
    %dma_wait3A_56 = arith.constant 0 : i32
    %dma_wait3A_57 = tpu.memref_slice %arg3[%mul3A_2, %dma_wait3A_56] : memref<16384x380xf32, #tpu.memory_space<hbm>> -> memref<64x380xf32, #tpu.memory_space<hbm>>
    %dma_wait3A_58 = arith.constant 0 : i32
    %dma_wait3A_59 = tpu.memref_slice %arg3[%mul3A_2, %dma_wait3A_58] : memref<16384x380xf32, #tpu.memory_space<hbm>> -> memref<64x380xf32, #tpu.memory_space<hbm>>
    tpu.wait_dma2 semaphore(%arg11 : memref<!tpu.dma_semaphore, #tpu.memory_space<semaphore_mem>>) src(%arg7 : memref<64x380xf32, #tpu.memory_space<vmem>>) dst(%dma_wait3A_59 : memref<64x380xf32, #tpu.memory_space<hbm>>)
    return
  }
}

</mosaic_0001>

<sc_bundles>
// kernel: kernel.3.cloned.1.call-start
scs
__scs_entry_jumppad:
0x0: {  	(pc) =	sbr.rel $0x88, $3  }
0x1: {  	(tag) =	ssettag $0x0;
	lr =	simm.s32 $0x1  }
0x2: {  	[smem:$0x3FA0] =	sst lr;
	_ =	strace $0xD0000000  }
0x3: {  	_ = 	snop  }
0x4: {  	_ = 	snop  }
0x5: {  	_ = 	snop  }
0x6: {  	_ = 	snop  }
0x7: {  	_ = 	snop  }
__scs_overlays_trampoline_lowered:
0x8: {  	[smem:$0x3FAF] =	sst s0  }
0x9: {  	[smem:$0x3FB0] =	sst s1  }
0xa: {  	[smem:$0x3FB1] =	sst s2  }
0xb: {  	[smem:$0x3FB2] =	sst s3  }
0xc: {  	[smem:$0x3FB3] =	sst s4  }
0xd: {  	[smem:$0x3FB4] =	sst s5  }
0xe: {  	[smem:$0x3FB5] =	sst s6  }
0xf: {  	[smem:$0x3FB6] =	sst s7  }
0x10: {  	[smem:$0x3FB7] =	sst s8  }
0x11: {  	[smem:$0x3FB8] =	sst s9;
	s0 =	simm.s32 @!p0 $0x0  }
0x12: {  	s1 =	sld [smem:$0x3F9E];
	s0 =	simm.s32 @p0 $0x1  }
0x13: {  	[smem:$0x3FB9] =	sst s0;
	s0 =	simm.s32 @!p1 $0x0  }
0x14: {  	s2 =	sld [smem:$0x3F9D];
	s0 =	simm.s32 @p1 $0x1  }
0x15: {  	[smem:$0x3FBA] =	sst s0;
	s0 =	simm.s32 @!p2 $0x0  }
0x16: {  	s3 =	sld [smem:$0x3FDB];
	s0 =	simm.s32 @p2 $0x1  }
0x17: {  	s4 =	simm.s32 $0x1BF5;
	[smem:$0x3FBC] =	sst s0  }
0x18: {  	s0 =	sld [smem:$0x3F9F];
	_ =	swait.ge [sflag:s4], $0x0  }
0x19: {  	s7 =	sld [smem:$0x3FA0]  }
0x1a: {  	s8 =	sadd.s32 $0xFFFFE003, lr  }
0x1b: {  	s9 =	sadd.s32 $0xFFFFFEF7, lr;
	s5 =	simm.s32 $0xFFFFFFFF;
	p2 =	slt.u32 s8, $0xFFFFF086  }
0x1c: {  	p1 =	slt.u32 s9, $0xF7A;
	s5 =	simm.s32 @!p2 $0x0  }
0x1d: {  	s5 =	simm.s32 @p1 $0x1;
	p0 =	seq.s32 s7, s2  }
0x1e: {  	s7 =	smul.u32 @!p0 $0xF7A, s2;
	p2 =	seq.s32 @!p0 s5, $0x0  }
0x1f: {  	s9 =	smul.u32 $0xF7A, s1;
	s8 =	simm.s32 @!p0 $0x1BF5;
	p2 =	por !p2, p0  }
0x20: {  	[sflag:s8] =	ssyncset.s32 @!p0 $0xFFFFF086;
	s6 =	sadd.s32 @!p0 s3, s7;
	s7 =	simm.s32 @!p0 $0x108  }
0x21: {  	s3 =	sadd.s32 s3, s9;
	s6 =	sadd.s32 @!p0 $0x88, s6;
	s7 =	simm.s32 @p2 $0x1082  }
0x22: {  	[simem:s7], [sflag:s8] =	dma.local @!p0 [hbm:s6], $0xF7A  }
0x23: {  	s9 =	sor.u32 $0xD0000000, s2;
	s6 =	simm.s32 $0x108;
	_ =	swait.ge @!p0 [sflag:s8], $0x0  }
0x24: {  	s3 =	sadd.s32 $0x88, s3;
	s6 =	simm.s32 @!p1 $0x1082;
	[sflag:s4] =	ssyncset.s32 $0xFFFFF086  }
0x25: {  	[simem:s6], [sflag:s4] =	dma.local [hbm:s3], $0xF7A  }
0x26: {  	[smem:$0x3FA0] =	sst s1;
	(tag) =	ssettag s2;
	_ =	strace s9  }
0x27: {  	s1 =	sld [smem:$0x3FB0]  }
0x28: {  	s2 =	sld [smem:$0x3FB1]  }
0x29: {  	s4 =	sld [smem:$0x3FB3]  }
0x2a: {  	p0 =	seq.s32 s5, $0x0;
	s5 =	sld [smem:$0x3FB4]  }
0x2b: {  	s6 =	sld [smem:$0x3FB5]  }
0x2c: {  	s7 =	sld [smem:$0x3FB6]  }
0x2d: {  	s3 =	simm.s32 $0x108;
	s8 =	sld [smem:$0x3FB7]  }
0x2e: {  	s3 =	simm.s32 @!p0 $0x1082;
	s9 =	sld [smem:$0x3FB8]  }
0x2f: {  	lr =	sadd.s32 s0, s3;
	s0 =	sld [smem:$0x3FAF]  }
0x30: {  	s3 =	sld [smem:$0x3FB2]  }
0x31: {  	[smem:$0x3FBB] =	sst s10  }
0x32: {  	s10 =	sld [smem:$0x3FB9];
	_ =	sdelay $0x3  }
0x33: {  	p0 =	seq.s32 s10, $0x1;
	s10 =	sld [smem:$0x3FBB];
	_ =	sdelay $0x3  }
0x34: {  	[smem:$0x3FBB] =	sst s10  }
0x35: {  	s10 =	sld [smem:$0x3FBA];
	_ =	sdelay $0x3  }
0x36: {  	p1 =	seq.s32 s10, $0x1;
	s10 =	sld [smem:$0x3FBB];
	_ =	sdelay $0x3  }
0x37: {  	[smem:$0x3FBB] =	sst s10  }
0x38: {  	s10 =	sld [smem:$0x3FBC]  }
0x39: {  	_ = 	snop;
	(pc) =	sbr.ind lr, $3  }
0x3a: {  	_ = 	snop  }
0x3b: {  	_ = 	snop  }
0x3c: {  	p2 =	seq.s32 s10, $0x1;
	s10 =	sld [smem:$0x3FBB]  }
0x3d: {  	_ =	shalt  }
0x3e: {  	_ =	shalt  }
0x3f: {  	_ =	shalt  }
0x40: {  	_ =	shalt  }
0x41: {  	_ =	shalt  }
0x42: {  	_ =	shalt  }
0x43: {  	_ =	shalt  }
0x44: {  	_ =	shalt  }
0x45: {  	_ =	shalt  }
0x46: {  	_ =	shalt  }
0x47: {  	_ =	shalt  }
0x48: {  	_ =	shalt  }
0x49: {  	_ =	shalt  }
0x4a: {  	_ =	shalt  }
0x4b: {  	_ =	shalt  }
0x4c: {  	_ =	shalt  }
0x4d: {  	_ =	shalt  }
0x4e: {  	_ =	shalt  }
0x4f: {  	_ =	shalt  }
0x50: {  	_ =	shalt  }
0x51: {  	_ =	shalt  }
0x52: {  	_ =	shalt  }
0x53: {  	_ =	shalt  }
0x54: {  	_ =	shalt  }
0x55: {  	_ =	shalt  }
0x56: {  	_ =	shalt  }
0x57: {  	_ =	shalt  }
0x58: {  	_ =	shalt  }
0x59: {  	_ =	shalt  }
0x5a: {  	_ =	shalt  }
0x5b: {  	_ =	shalt  }
0x5c: {  	_ =	shalt  }
0x5d: {  	_ =	shalt  }
0x5e: {  	_ =	shalt  }
0x5f: {  	_ =	shalt  }
0x60: {  	_ =	shalt  }
0x61: {  	_ =	shalt  }
0x62: {  	_ =	shalt  }
0x63: {  	_ =	shalt  }
0x64: {  	_ =	shalt  }
0x65: {  	_ =	shalt  }
0x66: {  	_ =	shalt  }
0x67: {  	_ =	shalt  }
0x68: {  	_ =	shalt  }
0x69: {  	_ =	shalt  }
0x6a: {  	_ =	shalt  }
0x6b: {  	_ =	shalt  }
0x6c: {  	_ =	shalt  }
0x6d: {  	_ =	shalt  }
0x6e: {  	_ =	shalt  }
0x6f: {  	_ =	shalt  }
0x70: {  	_ =	shalt  }
0x71: {  	_ =	shalt  }
0x72: {  	_ =	shalt  }
0x73: {  	_ =	shalt  }
0x74: {  	_ =	shalt  }
0x75: {  	_ =	shalt  }
0x76: {  	_ =	shalt  }
0x77: {  	_ =	shalt  }
0x78: {  	_ =	shalt  }
0x79: {  	_ =	shalt  }
0x7a: {  	_ =	shalt  }
0x7b: {  	_ =	shalt  }
0x7c: {  	_ =	shalt  }
0x7d: {  	_ =	shalt  }
0x7e: {  	_ =	shalt  }
0x7f: {  	_ =	shalt  }
0x80: {  	_ =	shalt  }
0x81: {  	_ =	shalt  }
0x82: {  	_ =	shalt  }
0x83: {  	_ =	shalt  }
0x84: {  	_ =	shalt  }
0x85: {  	_ =	shalt  }
0x86: {  	_ =	shalt  }
0x87: {  	_ =	shalt  }
.Lfunc_end0:
.L_simem_size_0:
called_computation_lowered:
.L_overlay_start_0:
0x88: {  	s2 =	sld [smem:$0x3FD9]  }
0x89: {  	s3 =	sld [smem:$0x3FFE];
	_ =	sdelay $0x1  }
0x8a: {  	s1 =	srdreg.scid  }
0x8b: {  	s0 =	sand.u32 $0x1, s1  }
0x8c: {  	s17 =	sshll.u32 s0, $0xA;
	s2 =	sadd.s32 s3, s2  }
0x8d: {  	s2 =	sadd.s32 s2, s17  }
0x8e: {  	[smem:$0x3FC7] =	sst s2  }
0x8f: {  	_ = 	snop  }
0x90: {  	s2 =	sld [smem:$0x3FD0];
	(tm) =	ssettm $0x1  }
0x91: {  	s18 =	sld [smem:$0x3FFB];
	_ =	sdelay $0x3  }
0x92: {  	_ =	strace s18  }
0x93: {  	s3 =	sld [smem:$0x3FFC];
	_ =	sdelay $0x3  }
0x94: {  	_ =	strace s3  }
0x95: {  	s3 =	sld [smem:$0x3FFD];
	_ =	sdelay $0x3  }
0x96: {  	_ =	strace s3  }
0x97: {  	_ =	strace $0x8FFFFFFF  }
0x98: {  	s19 =	sld [smem:$0x3FDB];
	_ =	sdelay $0x1  }
0x99: {  	s4 =	simm.s32 $_scs_section_size  }
0x9a: {  	s5 =	simm.s32 $_size__tile_overlayer_lowered;
	s6 =	simm.s32 $_tile_overlayer_lowered  }
0x9b: {  	s22 =	simm.s32 $0x1BFF;
	s21 =	sshll.u32 s6, $0x1;
	s3 =	sadd.s32 s4, s19  }
0x9c: {  	s7 =	simm.s32 $0x0;
	s20 =	sshll.u32 s5, $0x1;
	s5 =	sadd.s32 s21, s3  }
0x9d: {  	[timem:s7], [sflag:s22] =	dma.local [hbm:s5], s20  }
0x9e: {  	_ =	swait.ge [sflag:s22], s20  }
0x9f: {  	s4 =	ssub.s32 $0x0, s20;
	[sflag:s22] =	ssyncset.done $0x0  }
0xa0: {  	[sflag:s22] =	ssyncadd.s32 s4;
	_ =	sdelay $0x1  }
0xa1: {  	s23 =	simm.s32 $0x1B8B  }
0xa2: {  	_ =	swait.ge [sflag:s23], $0x1  }
0xa3: {  	[sflag:s23] =	ssyncset.done $0x0  }
0xa4: {  	s25 =	simm.s32 $0x1B8E;
	s24 =	sld [smem:$0x3FFE];
	[sflag:s23] =	ssyncadd.s32 $0xFFFFFFFF  }
0xa5: {  	s26 =	simm.s32 $execute0_lowered;
	[smem:$0x3FD2] =	sst s25  }
0xa6: {  	s5 =	sshll.u32 s26, $0x1;
	_ =	strace $0x80000046;
	[dreg:$0x1] =	wrdreg $0xFFFFFFFF  }
0xa7: {  	s28 =	simm.s32 $_size_execute0_lowered;
	s3 =	sadd.s32 s3, s5;
	[dreg:$0x0] =	wrdreg $0x0  }
0xa8: {  	s5 =	sshll.u32 s28, $0x1;
	[dreg:$0x2] =	wrdreg s3  }
0xa9: {  	[dreg:$0x3] =	wrdreg s5  }
0xaa: {  	[dreg:$0x4] =	wrdreg $0xC0  }
0xab: {  	_ =	task [dreg:s7], $0x5FFFF  }
0xac: {  	[dreg:$0x1] =	wrdreg $0xFFFFFFFF  }
0xad: {  	[dreg:$0x0] =	wrdreg $0x60  }
0xae: {  	[dreg:$0x2] =	wrdreg s24  }
0xaf: {  	[dreg:$0x3] =	wrdreg s2  }
0xb0: {  	[dreg:$0x4] =	wrdreg $0x9  }
0xb1: {  	_ =	task.clear_ibuf [dreg:s7], $0x5FFFF;
	_ =	strace $0x90000046  }
0xb2: {  	s29 =	simm.s32 $0x9;
	_ =	strace $0x80000048  }
0xb3: {  	_ =	swait.ge [sflag:s29], $0x1  }
0xb4: {  	[sflag:s29] =	ssyncadd.s32 $0xFFFFFFFF  }
0xb5: {  	_ =	strace $0x90000048  }
0xb6: {  	_ =	sfence  }
0xb7: {  	s30 =	sld [smem:$0x0];
	_ =	sdelay $0x2  }
0xb8: {  	s31 =	sshll.u32 s1, $0xD;
	s1 =	sshrl.u32 s1, $0x2  }
0xb9: {  	s3 =	sand.u32 $0x4000, s31;
	s1 =	sadd.s32 s1, s30  }
0xba: {  	s0 =	sor.u32 s3, s0;
	s1 =	sshll.u32 s1, $0x11  }
0xbb: {  	s0 =	sor.u32 s1, s0  }
0xbc: {  	s0 =	sadd.s32 $0x8F2B, s0  }
0xbd: {  	[sflag:s0] =	ssyncadd.remote.s32 $0x1  }
0xbe: {  	_ =	sfence.sel $0xFFFF  }
0xbf: {  	[dreg:$0x0] =	wrdreg $0xFFFFFFFF;
	(pc) =	sbr.abs _section_cstart, $3  }
0xc0: {  	[dreg:$0x1] =	wrdreg $0xFFFFFFFF  }
0xc1: {  	_ =	task.clear_ibuf [dreg:s7], $0x2FFFF;
	_ =	strace $0x9FFFFFFF  }
0xc2: {  	(tm) =	ssettm $0x7FFFFFFF  }
0xc3: {  	_ =	shalt  }
tec
execute0_lowered:
.L_overlay_start_1:
0x0: {  	(tag) =	ssettag $0x1  }
0x1: {  	vm0 =	vcmask $0x300;
	v0 =	vimm.f32 $3.000000000e+00;
	vm10 =	vcmask $0x704  }
0x2: {  	v2 =	vimm.s32 $0x76543210;
	vm11 =	vcmask $0xB08;
	vm8 =	vcmask $0x1310  }
0x3: {  	vm7 =	vcmask $0x1714;
	vm9 =	vcmask $0x1B18;
	vm1 =	vcmask $0x1F00  }
0x4: {  	vm6 =	vcmask $0x2320;
	vm5 =	vcmask $0x2724;
	v3 =	vimm.s32 $0xB0A0908  }
0x5: {  	vm4 =	vcmask $0x2B28;
	vm3 =	vcmask $0x3330;
	vm12 =	vcmask $0x2F20  }
0x6: {  	vm2 =	vcmask $0x3734;
	v23 =	vlaneseq.u32;
	v9 =	vimm.s32 $0x2  }
0x7: {  	vm13 =	vcmask $0x2F10;
	vm14 =	vcmask $0x2F2C;
	vm15 =	vcmask $0x1F1C  }
0x8: {  	v14 =	vimm.s32 $0x8;
	v16 =	vimm.s32 $0xA;
	v17 =	vimm.s32 $0xB  }
0x9: {  	v18 =	vimm.s32 $0xC;
	v1 =	vsel vm0, $0x0, v0;
	v2 =	vunpack.c.l.s4.s8 v2  }
0xa: {  	v19 =	vimm.s32 $0xD;
	v21 =	vimm.s32 $0xE;
	v1 =	vsel vm10, $0x3F800000, v1  }
0xb: {  	v20 =	vimm.s32 $0xF;
	v1 =	vsel vm11, $0x40000000, v1;
	v2 =	vunpack.c.0.s8.s32 v2  }
0xc: {  	v3 =	vunpack.c.0.s8.s32 v3;
	v4 =	vsel vm0, $0x40800000, v0;
	v1 =	vsel vm8, $0x0, v1  }
0xd: {  	vm0 =	vcmask $0xF0C;
	v1 =	vsel vm7, $0x3F800000, v1;
	v2 =	vnsel vm1, $0xC, v2  }
0xe: {  	vm1 =	vcmask $0x3B38;
	v0 =	vsel vm12, v3, v2;
	v2 =	vsel vm10, $0x40A00000, v4  }
0xf: {  	v1 =	vsel vm9, $0x40000000, v1;
	v3 =	vshrl.u32 v23, $0x2;
	v4 =	vsel vm11, $0x40C00000, v2  }
0x10: {  	vm12 =	vcmask $0xF00;
	v23 =	vor.u32 $0x70, v23;
	v8 =	vsel vm0, $0x40E00000, v4  }
0x11: {  	v1 =	vsel vm6, $0x0, v1;
	v2 =	vimm.f32 $0.0e+00;
	v7 =	vsel vm8, $0x0, v8  }
0x12: {  	v5 =	vor.u32 $0x8, v3;
	v6 =	vor.u32 $0xC, v3;
	v7 =	vsel vm7, $0x3F800000, v7  }
0x13: {  	v9 =	vsel vm12, $0x0, v9;
	v12 =	vsel vm12, $0x6, v14;
	v7 =	vsel vm9, $0x40000000, v7  }
0x14: {  	v1 =	vsel vm5, $0x3F800000, v1;
	vm0 =	vmmov $0xfff;
	v10 =	vsel vm6, $0x40800000, v7  }
0x15: {  	v4 =	vor.u32 $0x4, v3;
	v7 =	vsel vm13, $0x1, v9;
	v9 =	vsel vm5, $0x40A00000, v10  }
0x16: {  	v1 =	vsel vm4, $0x40000000, v1;
	v8 =	vsel vm8, $0x41000000, v8;
	v9 =	vsel vm4, $0x40C00000, v9  }
0x17: {  	v1 =	vsel vm3, $0x0, v1;
	v8 =	vsel vm7, $0x41100000, v8;
	v9 =	vsel vm14, $0x40E00000, v9  }
0x18: {  	s1 =	srdreg.scid;
	s5 =	rddreg [dreg:$0x0];
	v1 =	vsel vm2, $0x3F800000, v1;
	v8 =	vsel vm9, $0x41200000, v8;
	v9 =	vsel vm3, $0x0, v9  }
0x19: {  	s0 =	stileid.u32;
	s2 =	rddreg [dreg:$0x1];
	s3 =	simm.s32 $0x0;
	v8 =	vsel vm15, $0x41300000, v8;
	v10 =	vimm.s32 $0x4;
	v9 =	vsel vm2, $0x3F800000, v9  }
0x1a: {  	s11 =	simm.s32 $0x2000;
	s12 =	simm.s32 $0x1;
	s13 =	simm.s32 $0x4000;
	v11 =	vsel vm6, $0x41400000, v8;
	v10 =	vsel vm12, $0x2, v10;
	v8 =	vsel vm1, $0x40000000, v9  }
0x1b: {  	s14 =	simm.s32 $0x2;
	s15 =	simm.s32 $0x4;
	s16 =	simm.s32 $0xA000;
	v9 =	vsel vm13, $0x3, v10;
	v10 =	vsel vm5, $0x41500000, v11;
	v11 =	vimm.s32 $0x6  }
0x1c: {  	s17 =	simm.s32 $0x3;
	s18 =	simm.s32 $0x0;
	s6 =	sand.u32 $0x1, s1;
	v1 =	vsel vm1, $0x40000000, v1;
	v10 =	vsel vm4, $0x41600000, v10;
	v11 =	vsel vm12, $0x4, v11  }
0x1d: {  	s4 =	sshll.u32 s0, $0xA;
	s1 =	rddreg [dreg:$0x2];
	s7 =	sshll.u32 s6, $0x9;
	v13 =	vsel vm14, $0x41700000, v10;
	v10 =	vsel vm13, $0x5, v11;
	v11 =	vsel vm13, $0x7, v12  }
.Ltmp0:
0x1e: {  	s6 =	ssub.s32 $0x2, s6;
	s4 =	sor.u32 s7, s4;
	v12 =	vsel vm3, $0x0, v13;
	vm3 =	vcmask $0x2F00;
	v13 =	vimm.s32 $0x7;
	(pc) =	sbr.rel .LBB2_1-.Ltmp0, $4  }
0x1f: {  	[smem:$0x7FF] =	sst s3;
	s31 =	sshrl.u32 s6, $0x1;
	s7 =	sshll.u32 s4, $0x4;
	v15 =	vsel vm2, $0x3F800000, v12;
	v12 =	vsel vm3, $0x6, v13;
	v14 =	vsel vm3, $0x7, v14  }
0x20: {  	s10 =	sadd.s32 $0xC00, s2;
	s9 =	ssub.s32 s6, s31;
	s8 =	sadd.s32 s7, s5;
	v16 =	vsel vm3, $0x9, v16;
	v17 =	vsel vm3, $0xA, v17;
	v18 =	vsel vm3, $0xB, v18  }
0x21: {  	_ =	strace $0x80000047;
	s9 =	smax.u32 s9, $0x1;
	s5 =	sadd.s32 $0x400, s8;
	v19 =	vsel vm3, $0xC, v19;
	v13 =	vsel vm1, $0x40000000, v15;
	v15 =	vimm.s32 $0x9  }
0x22: {  	s6 =	sadd.s32 $0x800, s8;
	s7 =	sadd.s32 $0xC00, s8;
	s8 =	sadd.s32 $0x1000, s8;
	v21 =	vsel vm3, $0xD, v21;
	v22 =	vsel vm3, $0xE, v20;
	v15 =	vsel vm3, $0x8, v15  }
.LBB2_12:
0x23: {  	s18 =	sadd.s32 $0x1, s18  }
0x24: {  	_ =	swait.ge [sflag:s17], $0x6000;
	p0 =	sne.s32 s18, s9  }
.Ltmp1:
0x25: {  	[sflag:s17] =	ssyncset.done $0x0;
	(pc) =	sbr.rel @!p0 .LBB2_13-.Ltmp1, $4  }
0x26: {  	[sflag:s17] =	ssyncadd.s32 $0xFFFFA000  }
0x27: {  	_ =	swait.ge [sflag:s15], $0x6000  }
0x28: {  	[sflag:s15] =	ssyncset.done $0x0  }
0x29: {  	[sflag:s15] =	ssyncadd.s32 $0xFFFFA000  }
.LBB2_1:
0x2a: {  	[tilespmem:s3], [sflag:$0x1] =	stream.linear.gather [hbm4b:s5+s3], $0x2000, $0x38;
	[tilespmem:$0x10000] =	vst v63  }
0x2b: {  	s19 =	simm.s32 $0x0  }
0x2c: {  	[tilespmem:s11], [sflag:$0x2] =	stream.linear.gather [hbm4b:s6+s3], $0x2000, $0x38;
	[tilespmem:$0x10000] =	vst v63  }
.LBB2_2:
0x2d: {  	_ =	swait.ge [sflag:s12], $0x2000  }
0x2e: {  	p0 =	seq.s32 s19, $0x0;
	[sflag:s12] =	ssyncset.done $0x0  }
0x2f: {  	s20 =	simm.s32 @!p0 $0x3;
	[sflag:s12] =	ssyncadd.s32 $0xFFFFE000  }
0x30: {  	_ =	swait.ge @!p0 [sflag:s20], $0x6000  }
0x31: {  	[sflag:s20] =	ssyncset.done @!p0 $0x0  }
0x32: {  	s21 =	simm.s32 $0x30;
	[sflag:s20] =	ssyncadd.s32 @!p0 $0xFFFFA000  }
0x33: {  	v27 =	vld [tilespmem:s21+$0xD]  }
0x34: {  	s22 =	simm.s32 $0x0;
	v28 =	vld [tilespmem:s21+$0xFFFFFFD0]  }
0x35: {  	s31 =	simm.s32 $0x0;
	v24 =	vmov s22;
	v29 =	vld [tilespmem:s21+$0x1D]  }
0x36: {  	v25 =	vshrl.u32 v24, $0x3;
	s20 =	smul.u32 $0x3000, s31;
	v26 =	vld [tilespmem:s21+$0xFFFFFFE0]  }
0x37: {  	v24 =	vshll.u32 v24, $0x7;
	v25 =	vmul.u32 $0xC00, v25;
	v30 =	vld [tilespmem:s21+$0xFFFFFFF0]  }
0x38: {  	s23 =	sand.u32 $0x380, s22;
	v24 =	vand.u32 $0x380, v24;
	v31 =	vld [tilespmem:s21+$0x0];
	s20 =	sshra.s32 s20, $0x2  }
0x39: {  	v24 =	vor.u32 v24, v25;
	v32 =	vld [tilespmem:s21+$0x20];
	s23 =	sor.u32 s23, s20;
	v33 =	vperm.xlane v27, v3  }
0x3a: {  	v24 =	vor.u32 v23, v24;
	v25 =	vld [tilespmem:s21+$0x24];
	[tilespmem:s23+$0x4000] =	vst v28;
	v28 =	vperm.xlane v27, v4;
	v29 =	vperm.xlane v29, v3  }
0x3b: {  	[tilespmem:s23+$0x4010] =	vst v26;
	v26 =	vperm.xlane v27, v5;
	v27 =	vperm.xlane v27, v6;
	vm1 =	veq.f32 v33, v1  }
0x3c: {  	[tilespmem:s23+$0x4020] =	vst v30;
	vm2 =	veq.f32 v29, v1;
	v30 =	vsel vm1, $0x3F800000, v2;
	vm1 =	veq.f32 v28, v1  }
0x3d: {  	v29 =	vsel vm2, $0x3F800000, v2;
	[tilespmem:s23+$0x4040] =	vst v30;
	v28 =	vsel vm1, $0x3F800000, v2;
	vm1 =	veq.f32 v26, v1  }
0x3e: {  	[tilespmem:s23+$0x4400] =	vst v29;
	v26 =	vsel vm1, $0x3F800000, v2;
	vm1 =	veq.f32 v27, v1;
	v27 =	vperm.xlane v32, v7  }
0x3f: {  	v24 =	vadd.s32 $0x800, v24;
	v30 =	vperm.xlane v32, v9;
	v29 =	vperm.xlane v32, v11;
	[tilespmem:s23+$0x4050] =	vst v28  }
0x40: {  	[tilespmem:s23+$0x4060] =	vst v26;
	v28 =	vsel vm1, $0x3F800000, v2;
	vm1 =	veq.f32 v27, v8;
	v27 =	vperm.xlane v32, v10  }
0x41: {  	v26 =	vperm.xlane v31, v0;
	[tilespmem:s23+$0x4070] =	vst v28;
	v28 =	vsel vm1, $0x3F800000, v2;
	vm1 =	veq.f32 v30, v8  }
0x42: {  	[tilespmem:s23+$0x4410] =	vst v28;
	v28 =	vsel vm1, $0x3F800000, v2;
	vm1 =	veq.f32 v27, v8;
	v27 =	vperm.xlane v25, v10  }
0x43: {  	[tilespmem:s23+$0x4420] =	vst v28;
	v28 =	vsel vm1, $0x3F800000, v2;
	vm1 =	veq.f32 v29, v8;
	v29 =	vperm.xlane v25, v12  }
0x44: {  	v30 =	vperm.xlane v25, v14;
	[tilespmem:s23+$0x4430] =	vst v28;
	v28 =	vsel vm1, $0x3F800000, v2;
	vm1 =	veq.f32 v27, v8  }
0x45: {  	v27 =	vperm.xlane v25, v15;
	[tilespmem:s23+$0x4440] =	vst v28;
	v28 =	vsel vm1, $0x3F800000, v2;
	vm1 =	veq.f32 v29, v13  }
0x46: {  	s24 =	simm.s32 $0x1;
	s20 =	sshll.u32 s19, $0xB;
	[tilespmem:s23+$0x4450] =	vst v28;
	v29 =	vsel vm1, $0x3F800000, v2;
	vm1 =	veq.f32 v30, v13;
	v28 =	vperm.xlane v25, v16  }
.LBB2_3:
0x47: {  	p1 =	sne.s32 s24, $0x3F;
	[tilespmem:s23+$0x4460] =	vst v29;
	v29 =	vsel vm1, $0x3F800000, v2;
	vm1 =	veq.f32 v27, v13;
	v27 =	vperm.xlane v25, v17  }
0x48: {  	[tilespmem:s23+$0x4470] =	vst v29;
	v29 =	vsel vm1, $0x3F800000, v2;
	vm1 =	veq.f32 v28, v13;
	v28 =	vperm.xlane v25, v18  }
0x49: {  	[tilespmem:s23+$0x4800] =	vst v29;
	v29 =	vsel vm1, $0x3F800000, v2;
	vm1 =	veq.f32 v27, v13;
	v27 =	vperm.xlane v25, v19  }
0x4a: {  	[tilespmem:s23+$0x4810] =	vst v29;
	v29 =	vsel vm1, $0x3F800000, v2;
	vm1 =	veq.f32 v28, v13;
	v28 =	vperm.xlane v25, v21  }
0x4b: {  	[tilespmem:s23+$0x4820] =	vst v29;
	v29 =	vsel vm1, $0x3F800000, v2;
	vm1 =	veq.f32 v27, v13;
	v27 =	vperm.xlane v25, v22  }
0x4c: {  	vm2 =	veq.f32 v26, v1;
	[tilespmem:s23+$0x4830] =	vst v29;
	v29 =	vsel vm1, $0x3F800000, v2;
	vm1 =	veq.f32 v28, v13  }
0x4d: {  	v25 =	vperm.xlane v25, v20;
	[tilespmem:s23+$0x4840] =	vst v29;
	v28 =	vsel vm1, $0x3F800000, v2;
	vm1 =	veq.f32 v27, v13  }
0x4e: {  	v27 =	vsel vm2, $0x3F800000, v2;
	[tilespmem:s23+$0x4850] =	vst v28;
	v28 =	vsel vm1, $0x3F800000, v2  }
0x4f: {  	v26 =	vsel vm0, v26, v27;
	vm1 =	veq.f32 v25, v13;
	[tilespmem:s23+$0x4860] =	vst v28  }
0x50: {  	v25 =	vsel vm1, $0x3F800000, v2;
	[tilespmem:s23+$0x4030] =	vst v26  }
0x51: {  	s21 =	sadd.s32 $0x80, s21;
	[tilespmem:v24+s13+$0x0] =	vst.idx.msk $0xfff, v25  }
0x52: {  	v26 =	vld [tilespmem:s21+$0xFFFFFFE0]  }
0x53: {  	v24 =	vmov s24;
	v27 =	vld [tilespmem:s21+$0xD]  }
0x54: {  	s23 =	sshrl.u32 s24, $0x3;
	v25 =	vshrl.u32 v24, $0x3;
	v28 =	vld [tilespmem:s21+$0xFFFFFFD0]  }
0x55: {  	s23 =	smul.u32 $0x3000, s23;
	v24 =	vshll.u32 v24, $0x7;
	v25 =	vmul.u32 $0xC00, v25;
	v29 =	vld [tilespmem:s21+$0x1D]  }
0x56: {  	s22 =	sadd.s32 $0x80, s22;
	v24 =	vand.u32 $0x380, v24;
	v30 =	vld [tilespmem:s21+$0xFFFFFFF0]  }
0x57: {  	s25 =	sand.u32 $0x380, s22;
	s23 =	sshra.s32 s23, $0x2;
	v24 =	vor.u32 v24, v25;
	v31 =	vld [tilespmem:s21+$0x0]  }
0x58: {  	s23 =	sor.u32 s25, s23;
	v24 =	vor.u32 v23, v24;
	v32 =	vld [tilespmem:s21+$0x20];
	v33 =	vperm.xlane v27, v3  }
0x59: {  	v24 =	vadd.s32 $0x800, v24;
	v25 =	vld [tilespmem:s21+$0x24];
	[tilespmem:s23+$0x4000] =	vst v28;
	v28 =	vperm.xlane v27, v4  }
0x5a: {  	[tilespmem:s23+$0x4010] =	vst v26;
	vm1 =	veq.f32 v33, v1;
	v26 =	vperm.xlane v27, v5;
	v29 =	vperm.xlane v29, v3  }
0x5b: {  	v27 =	vperm.xlane v27, v6;
	[tilespmem:s23+$0x4020] =	vst v30;
	v30 =	vsel vm1, $0x3F800000, v2;
	vm1 =	veq.f32 v28, v1  }
0x5c: {  	[tilespmem:s23+$0x4040] =	vst v30;
	v28 =	vsel vm1, $0x3F800000, v2;
	vm1 =	veq.f32 v26, v1;
	vm2 =	veq.f32 v29, v1  }
0x5d: {  	[tilespmem:s23+$0x4050] =	vst v28;
	v26 =	vsel vm1, $0x3F800000, v2;
	vm1 =	veq.f32 v27, v1;
	v27 =	vperm.xlane v32, v7  }
0x5e: {  	v29 =	vsel vm2, $0x3F800000, v2;
	v30 =	vperm.xlane v32, v9;
	[tilespmem:s23+$0x4060] =	vst v26;
	v28 =	vsel vm1, $0x3F800000, v2  }
0x5f: {  	v26 =	vperm.xlane v31, v0;
	[tilespmem:s23+$0x4070] =	vst v28;
	vm1 =	veq.f32 v27, v8;
	v27 =	vperm.xlane v32, v10  }
0x60: {  	[tilespmem:s23+$0x4400] =	vst v29;
	v28 =	vsel vm1, $0x3F800000, v2;
	vm1 =	veq.f32 v30, v8;
	v29 =	vperm.xlane v32, v11  }
.Ltmp2:
0x61: {  	[tilespmem:s23+$0x4410] =	vst v28;
	v28 =	vsel vm1, $0x3F800000, v2;
	vm1 =	veq.f32 v27, v8;
	v27 =	vperm.xlane v25, v10;
	(pc) =	sbr.rel @p1 .LBB2_3-.Ltmp2, $4  }
0x62: {  	[tilespmem:s23+$0x4420] =	vst v28;
	v28 =	vsel vm1, $0x3F800000, v2;
	vm1 =	veq.f32 v29, v8;
	v29 =	vperm.xlane v25, v12  }
0x63: {  	v30 =	vperm.xlane v25, v14;
	[tilespmem:s23+$0x4430] =	vst v28;
	v28 =	vsel vm1, $0x3F800000, v2;
	vm1 =	veq.f32 v27, v8  }
0x64: {  	v27 =	vperm.xlane v25, v15;
	[tilespmem:s23+$0x4440] =	vst v28;
	v28 =	vsel vm1, $0x3F800000, v2;
	vm1 =	veq.f32 v29, v13  }
0x65: {  	s24 =	sadd.s32 $0x1, s24;
	[tilespmem:s23+$0x4450] =	vst v28;
	v29 =	vsel vm1, $0x3F800000, v2;
	vm1 =	veq.f32 v30, v13;
	v28 =	vperm.xlane v25, v16  }
0x66: {  	[tilespmem:s23+$0x4460] =	vst v29;
	v49 =	vsel vm1, $0x3F800000, v2;
	vm1 =	veq.f32 v27, v13;
	v50 =	vperm.xlane v25, v17  }
0x67: {  	vm2 =	veq.f32 v26, v1;
	[tilespmem:s23+$0x4470] =	vst v49;
	v51 =	vsel vm1, $0x3F800000, v2;
	vm1 =	veq.f32 v28, v13  }
0x68: {  	v52 =	vperm.xlane v25, v18;
	v61 =	vsel vm2, $0x3F800000, v2;
	[tilespmem:s23+$0x4800] =	vst v51;
	v53 =	vsel vm1, $0x3F800000, v2  }
0x69: {  	v54 =	vperm.xlane v25, v19;
	vm1 =	veq.f32 v50, v13;
	v63 =	vsel vm0, v26, v61;
	[tilespmem:s23+$0x4810] =	vst v53  }
0x6a: {  	v56 =	vperm.xlane v25, v21;
	v55 =	vsel vm1, $0x3F800000, v2;
	vm1 =	veq.f32 v52, v13;
	[tilespmem:s23+$0x4030] =	vst v63  }
0x6b: {  	v58 =	vperm.xlane v25, v22;
	s21 =	sshll.u32 s19, $0x7;
	[tilespmem:s23+$0x4820] =	vst v55;
	v57 =	vsel vm1, $0x3F800000, v2;
	vm1 =	veq.f32 v54, v13  }
0x6c: {  	v60 =	vperm.xlane v25, v20;
	p1 =	sne.s32 s19, $0x3;
	s21 =	sor.u32 s4, s21;
	[tilespmem:s23+$0x4830] =	vst v57;
	v59 =	vsel vm1, $0x3F800000, v2;
	vm1 =	veq.f32 v56, v13  }
.Ltmp3:
0x6d: {  	s21 =	sshrl.u32 s21, $0x3;
	[tilespmem:s23+$0x4840] =	vst v59;
	v28 =	vsel vm1, $0x3F800000, v2;
	vm1 =	veq.f32 v58, v13;
	(pc) =	sbr.rel @p1 .LBB2_6-.Ltmp3, $4  }
0x6e: {  	s21 =	smul.u32 $0x180, s21;
	[tilespmem:s23+$0x4850] =	vst v28;
	v62 =	vsel vm1, $0x3F800000, v2;
	vm1 =	veq.f32 v60, v13  }
0x6f: {  	[tilespmem:s23+$0x4860] =	vst v62;
	v25 =	vsel vm1, $0x3F800000, v2  }
0x70: {  	s22 =	sadd.s32 s2, s21;
	[tilespmem:v24+s13+$0x0] =	vst.idx.msk $0xfff, v25  }
0x71: {  	[hbm4b:s22+s3] =	stream.linear.scatter [tilespmem:s13], [sflag:$0x3], $0x6000, $0x38;
	[tilespmem:$0x10000] =	vst v63  }
.Ltmp4:
0x72: {  	(pc) =	sbr.rel .LBB2_7-.Ltmp4, $4  }
0x73: {  	_ = 	snop  }
0x74: {  	_ =	swait.ge [sflag:s14], $0x2000  }
0x75: {  	[sflag:s14] =	ssyncset.done $0x0  }
0x76: {  	[sflag:s14] =	ssyncadd.s32 $0xFFFFE000  }
.LBB2_6:
.Ltmp5:
0x77: {  	s22 =	sadd.s32 s20, s7;
	(pc) =	sbr.rel @p0 .LBB2_8-.Ltmp5, $4  }
0x78: {  	[tilespmem:s3], [sflag:$0x1] =	stream.linear.gather [hbm4b:s22+s3], $0x2000, $0x38;
	[tilespmem:$0x10000] =	vst v63  }
0x79: {  	_ =	swait.ge [sflag:s14], $0x2000  }
0x7a: {  	[sflag:s14] =	ssyncset.done $0x0  }
0x7b: {  	[sflag:s14] =	ssyncadd.s32 $0xFFFFE000  }
.LBB2_7:
0x7c: {  	_ =	swait.ge [sflag:s15], $0x6000  }
0x7d: {  	[sflag:s15] =	ssyncset.done $0x0  }
0x7e: {  	[sflag:s15] =	ssyncadd.s32 $0xFFFFA000  }
.LBB2_8:
0x7f: {  	s22 =	simm.s32 $0x2030  }
0x80: {  	v27 =	vld [tilespmem:s22+$0xD]  }
0x81: {  	s23 =	simm.s32 $0x0;
	v28 =	vld [tilespmem:s22+$0xFFFFFFD0]  }
0x82: {  	s24 =	simm.s32 $0x0;
	v24 =	vmov s23;
	v29 =	vld [tilespmem:s22+$0x1D]  }
0x83: {  	v26 =	vld [tilespmem:s22+$0xFFFFFFE0];
	s24 =	smul.u32 $0x3000, s24;
	v25 =	vshrl.u32 v24, $0x3  }
0x84: {  	v30 =	vld [tilespmem:s22+$0xFFFFFFF0];
	v24 =	vshll.u32 v24, $0x7;
	v25 =	vmul.u32 $0xC00, v25  }
0x85: {  	v31 =	vld [tilespmem:s22+$0x0];
	s25 =	sand.u32 $0x380, s23;
	v24 =	vand.u32 $0x380, v24;
	s24 =	sshra.s32 s24, $0x2  }
0x86: {  	v32 =	vld [tilespmem:s22+$0x20];
	s24 =	sor.u32 s25, s24;
	v24 =	vor.u32 v24, v25;
	v33 =	vperm.xlane v27, v3  }
0x87: {  	v25 =	vld [tilespmem:s22+$0x24];
	v24 =	vor.u32 v23, v24;
	[tilespmem:s24+$0xA000] =	vst v28;
	v28 =	vperm.xlane v27, v4;
	v29 =	vperm.xlane v29, v3  }
0x88: {  	[tilespmem:s24+$0xA010] =	vst v26;
	v26 =	vperm.xlane v27, v5;
	v27 =	vperm.xlane v27, v6;
	vm1 =	veq.f32 v33, v1  }
0x89: {  	[tilespmem:s24+$0xA020] =	vst v30;
	vm2 =	veq.f32 v29, v1;
	v30 =	vsel vm1, $0x3F800000, v2;
	vm1 =	veq.f32 v28, v1  }
0x8a: {  	v29 =	vsel vm2, $0x3F800000, v2;
	[tilespmem:s24+$0xA040] =	vst v30;
	v28 =	vsel vm1, $0x3F800000, v2;
	vm1 =	veq.f32 v26, v1  }
0x8b: {  	[tilespmem:s24+$0xA400] =	vst v29;
	v26 =	vsel vm1, $0x3F800000, v2;
	vm1 =	veq.f32 v27, v1;
	v27 =	vperm.xlane v32, v7  }
0x8c: {  	v24 =	vadd.s32 $0x800, v24;
	v30 =	vperm.xlane v32, v9;
	v29 =	vperm.xlane v32, v11;
	[tilespmem:s24+$0xA050] =	vst v28  }
0x8d: {  	[tilespmem:s24+$0xA060] =	vst v26;
	v28 =	vsel vm1, $0x3F800000, v2;
	vm1 =	veq.f32 v27, v8;
	v27 =	vperm.xlane v32, v10  }
0x8e: {  	v26 =	vperm.xlane v31, v0;
	[tilespmem:s24+$0xA070] =	vst v28;
	v28 =	vsel vm1, $0x3F800000, v2;
	vm1 =	veq.f32 v30, v8  }
0x8f: {  	[tilespmem:s24+$0xA410] =	vst v28;
	v28 =	vsel vm1, $0x3F800000, v2;
	vm1 =	veq.f32 v27, v8;
	v27 =	vperm.xlane v25, v10  }
0x90: {  	[tilespmem:s24+$0xA420] =	vst v28;
	v28 =	vsel vm1, $0x3F800000, v2;
	vm1 =	veq.f32 v29, v8;
	v29 =	vperm.xlane v25, v12  }
0x91: {  	v30 =	vperm.xlane v25, v14;
	[tilespmem:s24+$0xA430] =	vst v28;
	v28 =	vsel vm1, $0x3F800000, v2;
	vm1 =	veq.f32 v27, v8  }
0x92: {  	v27 =	vperm.xlane v25, v15;
	[tilespmem:s24+$0xA440] =	vst v28;
	v28 =	vsel vm1, $0x3F800000, v2;
	vm1 =	veq.f32 v29, v13  }
0x93: {  	s25 =	simm.s32 $0x1;
	[tilespmem:s24+$0xA450] =	vst v28;
	v29 =	vsel vm1, $0x3F800000, v2;
	vm1 =	veq.f32 v30, v13;
	v28 =	vperm.xlane v25, v16  }
.LBB2_9:
0x94: {  	p0 =	sne.s32 s25, $0x3F;
	[tilespmem:s24+$0xA460] =	vst v29;
	v29 =	vsel vm1, $0x3F800000, v2;
	vm1 =	veq.f32 v27, v13;
	v27 =	vperm.xlane v25, v17  }
0x95: {  	[tilespmem:s24+$0xA470] =	vst v29;
	v29 =	vsel vm1, $0x3F800000, v2;
	vm1 =	veq.f32 v28, v13;
	v28 =	vperm.xlane v25, v18  }
0x96: {  	[tilespmem:s24+$0xA800] =	vst v29;
	v29 =	vsel vm1, $0x3F800000, v2;
	vm1 =	veq.f32 v27, v13;
	v27 =	vperm.xlane v25, v19  }
0x97: {  	[tilespmem:s24+$0xA810] =	vst v29;
	v29 =	vsel vm1, $0x3F800000, v2;
	vm1 =	veq.f32 v28, v13;
	v28 =	vperm.xlane v25, v21  }
0x98: {  	[tilespmem:s24+$0xA820] =	vst v29;
	v29 =	vsel vm1, $0x3F800000, v2;
	vm1 =	veq.f32 v27, v13;
	v27 =	vperm.xlane v25, v22  }
0x99: {  	vm2 =	veq.f32 v26, v1;
	[tilespmem:s24+$0xA830] =	vst v29;
	v29 =	vsel vm1, $0x3F800000, v2;
	vm1 =	veq.f32 v28, v13  }
0x9a: {  	v25 =	vperm.xlane v25, v20;
	[tilespmem:s24+$0xA840] =	vst v29;
	v28 =	vsel vm1, $0x3F800000, v2;
	vm1 =	veq.f32 v27, v13  }
0x9b: {  	v27 =	vsel vm2, $0x3F800000, v2;
	[tilespmem:s24+$0xA850] =	vst v28;
	v28 =	vsel vm1, $0x3F800000, v2  }
0x9c: {  	v26 =	vsel vm0, v26, v27;
	vm1 =	veq.f32 v25, v13;
	[tilespmem:s24+$0xA860] =	vst v28  }
0x9d: {  	v25 =	vsel vm1, $0x3F800000, v2;
	[tilespmem:s24+$0xA030] =	vst v26  }
0x9e: {  	s22 =	sadd.s32 $0x80, s22;
	[tilespmem:v24+s16+$0x0] =	vst.idx.msk $0xfff, v25  }
0x9f: {  	v26 =	vld [tilespmem:s22+$0xFFFFFFE0]  }
0xa0: {  	v24 =	vmov s25;
	v27 =	vld [tilespmem:s22+$0xD]  }
0xa1: {  	s24 =	sshrl.u32 s25, $0x3;
	v25 =	vshrl.u32 v24, $0x3;
	v28 =	vld [tilespmem:s22+$0xFFFFFFD0]  }
0xa2: {  	s24 =	smul.u32 $0x3000, s24;
	v24 =	vshll.u32 v24, $0x7;
	v25 =	vmul.u32 $0xC00, v25;
	v29 =	vld [tilespmem:s22+$0x1D]  }
0xa3: {  	s23 =	sadd.s32 $0x80, s23;
	v24 =	vand.u32 $0x380, v24;
	v30 =	vld [tilespmem:s22+$0xFFFFFFF0]  }
0xa4: {  	s26 =	sand.u32 $0x380, s23;
	s24 =	sshra.s32 s24, $0x2;
	v24 =	vor.u32 v24, v25;
	v31 =	vld [tilespmem:s22+$0x0]  }
0xa5: {  	s24 =	sor.u32 s26, s24;
	v24 =	vor.u32 v23, v24;
	v32 =	vld [tilespmem:s22+$0x20];
	v33 =	vperm.xlane v27, v3  }
0xa6: {  	v24 =	vadd.s32 $0x800, v24;
	v25 =	vld [tilespmem:s22+$0x24];
	[tilespmem:s24+$0xA000] =	vst v28;
	v28 =	vperm.xlane v27, v4  }
0xa7: {  	[tilespmem:s24+$0xA010] =	vst v26;
	vm1 =	veq.f32 v33, v1;
	v26 =	vperm.xlane v27, v5;
	v29 =	vperm.xlane v29, v3  }
0xa8: {  	v27 =	vperm.xlane v27, v6;
	[tilespmem:s24+$0xA020] =	vst v30;
	v30 =	vsel vm1, $0x3F800000, v2;
	vm1 =	veq.f32 v28, v1  }
0xa9: {  	[tilespmem:s24+$0xA040] =	vst v30;
	v28 =	vsel vm1, $0x3F800000, v2;
	vm1 =	veq.f32 v26, v1;
	vm2 =	veq.f32 v29, v1  }
0xaa: {  	[tilespmem:s24+$0xA050] =	vst v28;
	v26 =	vsel vm1, $0x3F800000, v2;
	vm1 =	veq.f32 v27, v1;
	v27 =	vperm.xlane v32, v7  }
0xab: {  	v29 =	vsel vm2, $0x3F800000, v2;
	v30 =	vperm.xlane v32, v9;
	[tilespmem:s24+$0xA060] =	vst v26;
	v28 =	vsel vm1, $0x3F800000, v2  }
0xac: {  	v26 =	vperm.xlane v31, v0;
	[tilespmem:s24+$0xA070] =	vst v28;
	vm1 =	veq.f32 v27, v8;
	v27 =	vperm.xlane v32, v10  }
0xad: {  	[tilespmem:s24+$0xA400] =	vst v29;
	v28 =	vsel vm1, $0x3F800000, v2;
	vm1 =	veq.f32 v30, v8;
	v29 =	vperm.xlane v32, v11  }
.Ltmp6:
0xae: {  	[tilespmem:s24+$0xA410] =	vst v28;
	v28 =	vsel vm1, $0x3F800000, v2;
	vm1 =	veq.f32 v27, v8;
	v27 =	vperm.xlane v25, v10;
	(pc) =	sbr.rel @p0 .LBB2_9-.Ltmp6, $4  }
0xaf: {  	[tilespmem:s24+$0xA420] =	vst v28;
	v28 =	vsel vm1, $0x3F800000, v2;
	vm1 =	veq.f32 v29, v8;
	v29 =	vperm.xlane v25, v12  }
0xb0: {  	v30 =	vperm.xlane v25, v14;
	[tilespmem:s24+$0xA430] =	vst v28;
	v28 =	vsel vm1, $0x3F800000, v2;
	vm1 =	veq.f32 v27, v8  }
0xb1: {  	v27 =	vperm.xlane v25, v15;
	[tilespmem:s24+$0xA440] =	vst v28;
	v28 =	vsel vm1, $0x3F800000, v2;
	vm1 =	veq.f32 v29, v13  }
0xb2: {  	s25 =	sadd.s32 $0x1, s25;
	[tilespmem:s24+$0xA450] =	vst v28;
	v29 =	vsel vm1, $0x3F800000, v2;
	vm1 =	veq.f32 v30, v13;
	v28 =	vperm.xlane v25, v16  }
0xb3: {  	[tilespmem:s24+$0xA460] =	vst v29;
	v49 =	vsel vm1, $0x3F800000, v2;
	vm1 =	veq.f32 v27, v13;
	v50 =	vperm.xlane v25, v17  }
0xb4: {  	vm2 =	veq.f32 v26, v1;
	[tilespmem:s24+$0xA470] =	vst v49;
	v51 =	vsel vm1, $0x3F800000, v2;
	vm1 =	veq.f32 v28, v13  }
0xb5: {  	v52 =	vperm.xlane v25, v18;
	v61 =	vsel vm2, $0x3F800000, v2;
	[tilespmem:s24+$0xA800] =	vst v51;
	v53 =	vsel vm1, $0x3F800000, v2  }
0xb6: {  	v54 =	vperm.xlane v25, v19;
	vm1 =	veq.f32 v50, v13;
	v63 =	vsel vm0, v26, v61;
	[tilespmem:s24+$0xA810] =	vst v53  }
0xb7: {  	v56 =	vperm.xlane v25, v21;
	v55 =	vsel vm1, $0x3F800000, v2;
	vm1 =	veq.f32 v52, v13;
	[tilespmem:s24+$0xA030] =	vst v63  }
0xb8: {  	v58 =	vperm.xlane v25, v22;
	[tilespmem:s24+$0xA820] =	vst v55;
	v57 =	vsel vm1, $0x3F800000, v2;
	vm1 =	veq.f32 v54, v13  }
0xb9: {  	v60 =	vperm.xlane v25, v20;
	p0 =	seq.s32 s19, $0x3;
	[tilespmem:s24+$0xA830] =	vst v57;
	v59 =	vsel vm1, $0x3F800000, v2;
	vm1 =	veq.f32 v56, v13  }
.Ltmp7:
0xba: {  	[tilespmem:s24+$0xA840] =	vst v59;
	v28 =	vsel vm1, $0x3F800000, v2;
	vm1 =	veq.f32 v58, v13;
	(pc) =	sbr.rel @p0 .LBB2_12-.Ltmp7, $4  }
0xbb: {  	[tilespmem:s24+$0xA850] =	vst v28;
	v62 =	vsel vm1, $0x3F800000, v2;
	vm1 =	veq.f32 v60, v13  }
0xbc: {  	[tilespmem:s24+$0xA860] =	vst v62;
	v25 =	vsel vm1, $0x3F800000, v2  }
0xbd: {  	s21 =	sadd.s32 s10, s21;
	[tilespmem:v24+s16+$0x0] =	vst.idx.msk $0xfff, v25  }
0xbe: {  	[hbm4b:s21+s3] =	stream.linear.scatter [tilespmem:s16], [sflag:$0x4], $0x6000, $0x38;
	[tilespmem:$0x10000] =	vst v63  }
.Ltmp8:
0xbf: {  	(pc) =	sbr.rel .LBB2_2-.Ltmp8, $3  }
0xc0: {  	_ =	sdelay $0x1  }
0xc1: {  	s20 =	sadd.s32 s20, s8;
	s19 =	sadd.s32 $0x1, s19  }
0xc2: {  	[tilespmem:s11], [sflag:$0x2] =	stream.linear.gather [hbm4b:s20+s3], $0x2000, $0x38;
	[tilespmem:$0x10000] =	vst v63  }
.LBB2_13:
0xc3: {  	_ =	sfence.sel $0x180000  }
0xc4: {  	[bflag:$0x0] =	sbarrier.arrive $0xFFFF  }
0xc5: {  	p0 =	sne.s32 s0, $0x0;
	_ =	strace $0x90000047  }
0xc6: {  	s0 =	sadd.s32 @!p0 $0x100000, s1;
	[bflag:$0x2] =	sbarrier.arrive $0xFFFF  }
0xc7: {  	[sflag:s0] =	ssyncadd.tile.s32 @!p0 $0x1;
	_ =	shalt  }
.Lfunc_end2:
_tile_overlayer_lowered:
.L_overlay_start_2:
0xc8: {  	(tag) =	ssettag $0x2  }
0xc9: {  	s0 =	rddreg [dreg:$0x0];
	s2 =	stileid.u32  }
0xca: {  	s1 =	rddreg [dreg:$0x1];
	p0 =	sne.s32 s2, $0x0  }
0xcb: {  	s3 =	rddreg [dreg:$0x2];
	[bflag:$0x3] =	sbarrier.arrive $0xFFFF;
	s2 =	simm.s32 @!p0 $0x1C05  }
0xcc: {  	[timem:s3], [sflag:s2] =	dma.local @!p0 [hbm:s0], s1  }
0xcd: {  	s0 =	simm.s32 @!p0 $0x5  }
0xce: {  	_ =	swait.ge @!p0 [sflag:s0], s1  }
0xcf: {  	s1 =	ssub.s32 @!p0 $0x0, s1;
	[sflag:s0] =	ssyncset.done @!p0 $0x0  }
0xd0: {  	[sflag:s0] =	ssyncadd.s32 @!p0 s1  }
0xd1: {  	[bflag:$0x3] =	sbarrier.arrive $0xFFFF  }
0xd2: {  	_ =	shalt  }

</sc_bundles>
